<compile_context>
chip_gen: v7x
topology: tpu7x:2x2x1
jax: 0.10.2.dev20260603
libtpu: 0.0.44.dev20260713+nightly
codegen_flags: <defaults>
</compile_context>

<pallas_src>
import functools

import jax
import jax.numpy as jnp
from jax import lax
from jax.experimental import pallas as pl
from jax.experimental.pallas import tpu as pltpu
from jax.experimental.pallas import tpu_sc as plsc

LANES = 16
NUM_WORKERS = 32
FPB = 4
UNROLL = 4


def _make_scorer(n_nodes, d_feat, e):
    align = 128
    group = NUM_WORKERS * align
    per_big = ((e + group - 1) // group) * align
    last_sz = e - (NUM_WORKERS - 1) * per_big
    assert 0 < last_sz <= per_big and last_sz % LANES == 0
    big_groups = per_big // LANES
    last_groups = last_sz // LANES
    n_blk = (d_feat // 2) // FPB
    n_super = n_blk // 2

    @functools.partial(
        pl.kernel,
        mesh=plsc.VectorSubcoreMesh(core_axis_name="c", subcore_axis_name="s"),
        out_type=jax.ShapeDtypeStruct((e,), jnp.float32),
        compiler_params=pltpu.CompilerParams(needs_layout_passes=False),
        scratch_types=[
            pltpu.VMEM((per_big,), jnp.int32),
            pltpu.VMEM((per_big,), jnp.int32),
            [pltpu.VMEM((FPB, n_nodes), jnp.int32) for _ in range(2)],
            pltpu.VMEM((per_big,), jnp.float32),
            pltpu.VMEM((1, n_nodes), jnp.float32),
            [pltpu.SemaphoreType.DMA for _ in range(2)],
        ],
    )
    def scorer(ht_hbm, edge_hbm, bias_hbm, out_hbm,
               idx_s, idx_d, cols, acc_v, bias_v, sem):
        wid = lax.axis_index("s") * 2 + lax.axis_index("c")
        tile_base = wid * per_big
        is_last = wid == NUM_WORKERS - 1
        n_groups = jnp.where(is_last, last_groups, big_groups)
        pltpu.sync_copy(bias_hbm, bias_v)

        @pl.when(is_last)
        def _():
            pltpu.sync_copy(edge_hbm.at[0].at[pl.ds(tile_base, last_sz)],
                            idx_s.at[pl.ds(0, last_sz)])
            pltpu.sync_copy(edge_hbm.at[1].at[pl.ds(tile_base, last_sz)],
                            idx_d.at[pl.ds(0, last_sz)])

        @pl.when(jnp.logical_not(is_last))
        def _():
            pltpu.sync_copy(edge_hbm.at[0].at[pl.ds(tile_base, per_big)], idx_s)
            pltpu.sync_copy(edge_hbm.at[1].at[pl.ds(tile_base, per_big)], idx_d)

        zeros16 = jnp.zeros((LANES,), jnp.int32)

        @plsc.parallel_loop(0, n_groups, unroll=UNROLL)
        def init_body(g):
            is16 = idx_s[pl.ds(g * LANES, LANES)]
            id16 = idx_d[pl.ds(g * LANES, LANES)]
            acc_v[pl.ds(g * LANES, LANES)] = (
                plsc.load_gather(bias_v, [zeros16, is16])
                + plsc.load_gather(bias_v, [zeros16, id16]))

        def fire(blk, b):
            pltpu.async_copy(ht_hbm.at[blk], cols[b], sem[b])

        def compute(b):
            col = cols[b]

            @plsc.parallel_loop(0, n_groups, unroll=UNROLL)
            def group_body(g):
                is16 = idx_s[pl.ds(g * LANES, LANES)]
                id16 = idx_d[pl.ds(g * LANES, LANES)]
                acc = acc_v[pl.ds(g * LANES, LANES)]
                for p in range(FPB):
                    p16 = zeros16 + p
                    ws = plsc.load_gather(col, [p16, is16])
                    wd = plsc.load_gather(col, [p16, id16])
                    a_s, b_s = plsc.unpack(
                        plsc.bitcast(ws, jnp.bfloat16),
                        format=plsc.PackFormat.INTERLEAVED)
                    a_d, b_d = plsc.unpack(
                        plsc.bitcast(wd, jnp.bfloat16),
                        format=plsc.PackFormat.INTERLEAVED)
                    acc = acc + a_s * a_d + b_s * b_d
                acc_v[pl.ds(g * LANES, LANES)] = acc

        fire(0, 0)

        def super_body(s, _):
            for b in range(2):
                blk = 2 * s + b
                pltpu.make_async_copy(ht_hbm.at[0], cols[b], sem[b]).wait()

                @pl.when(blk + 1 < n_blk)
                def _():
                    fire(blk + 1, 1 - b)

                compute(b)
            return 0

        lax.fori_loop(0, n_super, super_body, 0)

        @pl.when(is_last)
        def _():
            pltpu.sync_copy(acc_v.at[pl.ds(0, last_sz)],
                            out_hbm.at[pl.ds(tile_base, last_sz)])

        @pl.when(jnp.logical_not(is_last))
        def _():
            pltpu.sync_copy(acc_v, out_hbm.at[pl.ds(tile_base, per_big)])

    return scorer


def kernel(h, edge_index, bias):
    n_nodes, d_feat = h.shape
    e = edge_index.shape[1]

    hd = d_feat // 2
    bits = jax.lax.bitcast_convert_type(h.astype(jnp.bfloat16).T, jnp.uint16)
    words = (bits[hd:].astype(jnp.uint32) << 16) | bits[:hd].astype(jnp.uint32)
    ht = jax.lax.bitcast_convert_type(words, jnp.int32).reshape(
        hd // FPB, FPB, n_nodes)

    scorer = _make_scorer(n_nodes, d_feat, e)
    return scorer(ht, edge_index.astype(jnp.int32),
                  bias.reshape(1, n_nodes).astype(jnp.float32))

# --- scband reference (transcript-rebuilt; emitter-appended) ---
"""Pipeline reference for scband-item-to-item-scorer-29918742184386 (READ-ONLY COPY).

The authoritative reference and input builder live on the scoring server;
editing this copy changes nothing except your own understanding.
"""

import jax, jax.numpy as jnp
import numpy as np

N_NODES = 10000
N_EDGES = 160000
D_FEAT = 256

def setup_inputs(seed: int = 0) -> dict:
    key = jax.random.key(seed)
    k1, k2, k3 = jax.random.split(key, 3)
    h = jax.random.normal(k1, (N_NODES, D_FEAT), dtype=jnp.float32)
    edge_index = jax.random.randint(k2, (2, N_EDGES), 0, N_NODES, dtype=jnp.int64)
    # learned parameter: per-node bias, initialized to zeros as in the torch module
    bias = jnp.zeros((N_NODES,), dtype=jnp.float32)
    return {"h": h, "edge_index": edge_index, "bias": bias}

def reference(h, edge_index, bias):
    # DGL apply_edges(fn.u_dot_v('h','h','s')): per-edge dot product of src/dst features
    src = edge_index[0]
    dst = edge_index[1]
    h_src = jnp.take(h, src, axis=0)   # gather [E, d]
    h_dst = jnp.take(h, dst, axis=0)   # gather [E, d]
    s = jnp.sum(h_src * h_dst, axis=-1)  # [E]
    # _add_bias: s + bias[src] + bias[dst]
    pair_score = s + jnp.take(bias, src) + jnp.take(bias, dst)
    return pair_score

if __name__ == "__main__":
    import jax
    _d = setup_inputs()
    print(jax.jit(kernel)(*tuple(_d.values())))

</pallas_src>

<mosaic_0001>
#map = affine_map<(d0, d1) -> (0, 0, 0)>
#map1 = affine_map<(d0, d1) -> (0, 0)>
#map2 = affine_map<(d0, d1) -> (0)>
module attributes {stable_mosaic.version = 14 : i64} {
  func.func @scorer(%arg0: i32, %arg1: i32, %arg2: memref<32x4x10000xi32, #tpu.memory_space<hbm>>, %arg3: memref<2x160000xi32, #tpu.memory_space<hbm>>, %arg4: memref<1x10000xf32, #tpu.memory_space<hbm>>, %arg5: memref<160000xf32, #tpu.memory_space<hbm>>, %arg6: memref<5120xi32, #tpu.memory_space<vmem>>, %arg7: memref<5120xi32, #tpu.memory_space<vmem>>, %arg8: memref<4x10000xi32, #tpu.memory_space<vmem>>, %arg9: memref<4x10000xi32, #tpu.memory_space<vmem>>, %arg10: memref<5120xf32, #tpu.memory_space<vmem>>, %arg11: memref<1x10000xf32, #tpu.memory_space<vmem>>, %arg12: memref<!tpu.dma_semaphore, #tpu.memory_space<semaphore_mem>>, %arg13: memref<!tpu.dma_semaphore, #tpu.memory_space<semaphore_mem>>) attributes {dimension_semantics = [#tpu.dimension_semantics<core_parallel>, #tpu.dimension_semantics<subcore_parallel>], iteration_bounds = array<i64: 2, 16>, scalar_prefetch = 0 : i64, scratch_operands = 8 : i64, tpu.core_type = #tpu.core_type<sc_vector_subcore>, window_params = [{transform_indices = #map}, {transform_indices = #map1}, {transform_indices = #map1}, {transform_indices = #map2}]} {
    %mul3A = arith.constant 2 : i32
    %mul3A_0 = arith.muli %arg1, %mul3A : i32
    %add3A = arith.addi %mul3A_0, %arg0 : i32
    %mul3A_1 = arith.constant 5120 : i32
    %mul3A_2 = arith.muli %add3A, %mul3A_1 : i32
    %eq3A = arith.constant 31 : i32
    %eq3A_3 = arith.cmpi eq, %add3A, %eq3A : i32
    %jit3A = arith.constant 80 : i32
    %jit3A_4 = arith.constant 320 : i32
    %select_n3A = arith.select %eq3A_3, %jit3A, %jit3A_4 : i32
    "tpu.region"() ({
      %run_scoped3A = tpu.sem_alloc : memref<!tpu.dma_semaphore, #tpu.memory_space<semaphore_mem>>
      tpu.enqueue_dma source(%arg4 : memref<1x10000xf32, #tpu.memory_space<hbm>>) target(%arg11 : memref<1x10000xf32, #tpu.memory_space<vmem>>) target_semaphore(%run_scoped3A : memref<!tpu.dma_semaphore, #tpu.memory_space<semaphore_mem>>)
      tpu.wait_dma2 semaphore(%run_scoped3A : memref<!tpu.dma_semaphore, #tpu.memory_space<semaphore_mem>>) src(%arg4 : memref<1x10000xf32, #tpu.memory_space<hbm>>) dst(%arg11 : memref<1x10000xf32, #tpu.memory_space<vmem>>)
      tpu.yield
    }) : () -> ()
    %convert_element_type3A = arith.extui %eq3A_3 : i1 to i32
    %cond3A = arith.constant 0 : i32
    %cond3A_5 = arith.cmpi ne, %convert_element_type3A, %cond3A : i32
    scf.if %cond3A_5 {
      %run_scoped3A = arith.constant 0 : i32
      "tpu.region"() ({
        %run_scoped3A_35 = tpu.sem_alloc : memref<!tpu.dma_semaphore, #tpu.memory_space<semaphore_mem>>
        %dma_start3A_36 = arith.constant 0 : i32
        %dma_start3A_37 = tpu.memref_slice %arg6[%dma_start3A_36] : memref<5120xi32, #tpu.memory_space<vmem>> -> memref<1280xi32, #tpu.memory_space<vmem>>
        %dma_start3A_38 = arith.constant 0 : i32
        %dma_start3A_39 = tpu.memref_slice %arg3[%run_scoped3A, %dma_start3A_38] : memref<2x160000xi32, #tpu.memory_space<hbm>> -> memref<1x160000xi32, #tpu.memory_space<hbm>>
        %dma_start3A_40 = tpu.memref_squeeze %dma_start3A_39 : memref<1x160000xi32, #tpu.memory_space<hbm>> -> memref<160000xi32, #tpu.memory_space<hbm>>
        %dma_start3A_41 = tpu.memref_slice %dma_start3A_40[%mul3A_2] : memref<160000xi32, #tpu.memory_space<hbm>> -> memref<1280xi32, #tpu.memory_space<hbm>>
        %dma_start3A_42 = arith.constant 0 : i32
        %dma_start3A_43 = tpu.memref_slice %arg6[%dma_start3A_42] : memref<5120xi32, #tpu.memory_space<vmem>> -> memref<1280xi32, #tpu.memory_space<vmem>>
        %dma_start3A_44 = arith.constant 0 : i32
        %dma_start3A_45 = tpu.memref_slice %arg3[%run_scoped3A, %dma_start3A_44] : memref<2x160000xi32, #tpu.memory_space<hbm>> -> memref<1x160000xi32, #tpu.memory_space<hbm>>
        %dma_start3A_46 = tpu.memref_squeeze %dma_start3A_45 : memref<1x160000xi32, #tpu.memory_space<hbm>> -> memref<160000xi32, #tpu.memory_space<hbm>>
        %dma_start3A_47 = tpu.memref_slice %dma_start3A_46[%mul3A_2] : memref<160000xi32, #tpu.memory_space<hbm>> -> memref<1280xi32, #tpu.memory_space<hbm>>
        tpu.enqueue_dma source(%dma_start3A_47 : memref<1280xi32, #tpu.memory_space<hbm>>) target(%dma_start3A_43 : memref<1280xi32, #tpu.memory_space<vmem>>) target_semaphore(%run_scoped3A_35 : memref<!tpu.dma_semaphore, #tpu.memory_space<semaphore_mem>>)
        %dma_wait3A = arith.constant 0 : i32
        %dma_wait3A_48 = tpu.memref_slice %arg6[%dma_wait3A] : memref<5120xi32, #tpu.memory_space<vmem>> -> memref<1280xi32, #tpu.memory_space<vmem>>
        %dma_wait3A_49 = arith.constant 0 : i32
        %dma_wait3A_50 = tpu.memref_slice %arg3[%run_scoped3A, %dma_wait3A_49] : memref<2x160000xi32, #tpu.memory_space<hbm>> -> memref<1x160000xi32, #tpu.memory_space<hbm>>
        %dma_wait3A_51 = tpu.memref_squeeze %dma_wait3A_50 : memref<1x160000xi32, #tpu.memory_space<hbm>> -> memref<160000xi32, #tpu.memory_space<hbm>>
        %dma_wait3A_52 = tpu.memref_slice %dma_wait3A_51[%mul3A_2] : memref<160000xi32, #tpu.memory_space<hbm>> -> memref<1280xi32, #tpu.memory_space<hbm>>
        %dma_wait3A_53 = arith.constant 0 : i32
        %dma_wait3A_54 = tpu.memref_slice %arg6[%dma_wait3A_53] : memref<5120xi32, #tpu.memory_space<vmem>> -> memref<1280xi32, #tpu.memory_space<vmem>>
        %dma_wait3A_55 = arith.constant 0 : i32
        %dma_wait3A_56 = tpu.memref_slice %arg3[%run_scoped3A, %dma_wait3A_55] : memref<2x160000xi32, #tpu.memory_space<hbm>> -> memref<1x160000xi32, #tpu.memory_space<hbm>>
        %dma_wait3A_57 = tpu.memref_squeeze %dma_wait3A_56 : memref<1x160000xi32, #tpu.memory_space<hbm>> -> memref<160000xi32, #tpu.memory_space<hbm>>
        %dma_wait3A_58 = tpu.memref_slice %dma_wait3A_57[%mul3A_2] : memref<160000xi32, #tpu.memory_space<hbm>> -> memref<1280xi32, #tpu.memory_space<hbm>>
        tpu.wait_dma2 semaphore(%run_scoped3A_35 : memref<!tpu.dma_semaphore, #tpu.memory_space<semaphore_mem>>) src(%dma_wait3A_58 : memref<1280xi32, #tpu.memory_space<hbm>>) dst(%dma_wait3A_54 : memref<1280xi32, #tpu.memory_space<vmem>>)
        tpu.yield
      }) : () -> ()
      %run_scoped3A_34 = arith.constant 1 : i32
      "tpu.region"() ({
        %run_scoped3A_35 = tpu.sem_alloc : memref<!tpu.dma_semaphore, #tpu.memory_space<semaphore_mem>>
        %dma_start3A_36 = arith.constant 0 : i32
        %dma_start3A_37 = tpu.memref_slice %arg7[%dma_start3A_36] : memref<5120xi32, #tpu.memory_space<vmem>> -> memref<1280xi32, #tpu.memory_space<vmem>>
        %dma_start3A_38 = arith.constant 0 : i32
        %dma_start3A_39 = tpu.memref_slice %arg3[%run_scoped3A_34, %dma_start3A_38] : memref<2x160000xi32, #tpu.memory_space<hbm>> -> memref<1x160000xi32, #tpu.memory_space<hbm>>
        %dma_start3A_40 = tpu.memref_squeeze %dma_start3A_39 : memref<1x160000xi32, #tpu.memory_space<hbm>> -> memref<160000xi32, #tpu.memory_space<hbm>>
        %dma_start3A_41 = tpu.memref_slice %dma_start3A_40[%mul3A_2] : memref<160000xi32, #tpu.memory_space<hbm>> -> memref<1280xi32, #tpu.memory_space<hbm>>
        %dma_start3A_42 = arith.constant 0 : i32
        %dma_start3A_43 = tpu.memref_slice %arg7[%dma_start3A_42] : memref<5120xi32, #tpu.memory_space<vmem>> -> memref<1280xi32, #tpu.memory_space<vmem>>
        %dma_start3A_44 = arith.constant 0 : i32
        %dma_start3A_45 = tpu.memref_slice %arg3[%run_scoped3A_34, %dma_start3A_44] : memref<2x160000xi32, #tpu.memory_space<hbm>> -> memref<1x160000xi32, #tpu.memory_space<hbm>>
        %dma_start3A_46 = tpu.memref_squeeze %dma_start3A_45 : memref<1x160000xi32, #tpu.memory_space<hbm>> -> memref<160000xi32, #tpu.memory_space<hbm>>
        %dma_start3A_47 = tpu.memref_slice %dma_start3A_46[%mul3A_2] : memref<160000xi32, #tpu.memory_space<hbm>> -> memref<1280xi32, #tpu.memory_space<hbm>>
        tpu.enqueue_dma source(%dma_start3A_47 : memref<1280xi32, #tpu.memory_space<hbm>>) target(%dma_start3A_43 : memref<1280xi32, #tpu.memory_space<vmem>>) target_semaphore(%run_scoped3A_35 : memref<!tpu.dma_semaphore, #tpu.memory_space<semaphore_mem>>)
        %dma_wait3A = arith.constant 0 : i32
        %dma_wait3A_48 = tpu.memref_slice %arg7[%dma_wait3A] : memref<5120xi32, #tpu.memory_space<vmem>> -> memref<1280xi32, #tpu.memory_space<vmem>>
        %dma_wait3A_49 = arith.constant 0 : i32
        %dma_wait3A_50 = tpu.memref_slice %arg3[%run_scoped3A_34, %dma_wait3A_49] : memref<2x160000xi32, #tpu.memory_space<hbm>> -> memref<1x160000xi32, #tpu.memory_space<hbm>>
        %dma_wait3A_51 = tpu.memref_squeeze %dma_wait3A_50 : memref<1x160000xi32, #tpu.memory_space<hbm>> -> memref<160000xi32, #tpu.memory_space<hbm>>
        %dma_wait3A_52 = tpu.memref_slice %dma_wait3A_51[%mul3A_2] : memref<160000xi32, #tpu.memory_space<hbm>> -> memref<1280xi32, #tpu.memory_space<hbm>>
        %dma_wait3A_53 = arith.constant 0 : i32
        %dma_wait3A_54 = tpu.memref_slice %arg7[%dma_wait3A_53] : memref<5120xi32, #tpu.memory_space<vmem>> -> memref<1280xi32, #tpu.memory_space<vmem>>
        %dma_wait3A_55 = arith.constant 0 : i32
        %dma_wait3A_56 = tpu.memref_slice %arg3[%run_scoped3A_34, %dma_wait3A_55] : memref<2x160000xi32, #tpu.memory_space<hbm>> -> memref<1x160000xi32, #tpu.memory_space<hbm>>
        %dma_wait3A_57 = tpu.memref_squeeze %dma_wait3A_56 : memref<1x160000xi32, #tpu.memory_space<hbm>> -> memref<160000xi32, #tpu.memory_space<hbm>>
        %dma_wait3A_58 = tpu.memref_slice %dma_wait3A_57[%mul3A_2] : memref<160000xi32, #tpu.memory_space<hbm>> -> memref<1280xi32, #tpu.memory_space<hbm>>
        tpu.wait_dma2 semaphore(%run_scoped3A_35 : memref<!tpu.dma_semaphore, #tpu.memory_space<semaphore_mem>>) src(%dma_wait3A_58 : memref<1280xi32, #tpu.memory_space<hbm>>) dst(%dma_wait3A_54 : memref<1280xi32, #tpu.memory_space<vmem>>)
        tpu.yield
      }) : () -> ()
    } else {
    }
    %not3A = arith.constant true
    %not3A_6 = arith.xori %eq3A_3, %not3A : i1
    %convert_element_type3A_7 = arith.extui %not3A_6 : i1 to i32
    %cond3A_8 = arith.constant 0 : i32
    %cond3A_9 = arith.cmpi ne, %convert_element_type3A_7, %cond3A_8 : i32
    scf.if %cond3A_9 {
      %run_scoped3A = arith.constant 0 : i32
      "tpu.region"() ({
        %run_scoped3A_35 = tpu.sem_alloc : memref<!tpu.dma_semaphore, #tpu.memory_space<semaphore_mem>>
        %dma_start3A_36 = arith.constant 0 : i32
        %dma_start3A_37 = tpu.memref_slice %arg3[%run_scoped3A, %dma_start3A_36] : memref<2x160000xi32, #tpu.memory_space<hbm>> -> memref<1x160000xi32, #tpu.memory_space<hbm>>
        %dma_start3A_38 = tpu.memref_squeeze %dma_start3A_37 : memref<1x160000xi32, #tpu.memory_space<hbm>> -> memref<160000xi32, #tpu.memory_space<hbm>>
        %dma_start3A_39 = tpu.memref_slice %dma_start3A_38[%mul3A_2] : memref<160000xi32, #tpu.memory_space<hbm>> -> memref<5120xi32, #tpu.memory_space<hbm>>
        %dma_start3A_40 = arith.constant 0 : i32
        %dma_start3A_41 = tpu.memref_slice %arg3[%run_scoped3A, %dma_start3A_40] : memref<2x160000xi32, #tpu.memory_space<hbm>> -> memref<1x160000xi32, #tpu.memory_space<hbm>>
        %dma_start3A_42 = tpu.memref_squeeze %dma_start3A_41 : memref<1x160000xi32, #tpu.memory_space<hbm>> -> memref<160000xi32, #tpu.memory_space<hbm>>
        %dma_start3A_43 = tpu.memref_slice %dma_start3A_42[%mul3A_2] : memref<160000xi32, #tpu.memory_space<hbm>> -> memref<5120xi32, #tpu.memory_space<hbm>>
        tpu.enqueue_dma source(%dma_start3A_43 : memref<5120xi32, #tpu.memory_space<hbm>>) target(%arg6 : memref<5120xi32, #tpu.memory_space<vmem>>) target_semaphore(%run_scoped3A_35 : memref<!tpu.dma_semaphore, #tpu.memory_space<semaphore_mem>>)
        %dma_wait3A = arith.constant 0 : i32
        %dma_wait3A_44 = tpu.memref_slice %arg3[%run_scoped3A, %dma_wait3A] : memref<2x160000xi32, #tpu.memory_space<hbm>> -> memref<1x160000xi32, #tpu.memory_space<hbm>>
        %dma_wait3A_45 = tpu.memref_squeeze %dma_wait3A_44 : memref<1x160000xi32, #tpu.memory_space<hbm>> -> memref<160000xi32, #tpu.memory_space<hbm>>
        %dma_wait3A_46 = tpu.memref_slice %dma_wait3A_45[%mul3A_2] : memref<160000xi32, #tpu.memory_space<hbm>> -> memref<5120xi32, #tpu.memory_space<hbm>>
        %dma_wait3A_47 = arith.constant 0 : i32
        %dma_wait3A_48 = tpu.memref_slice %arg3[%run_scoped3A, %dma_wait3A_47] : memref<2x160000xi32, #tpu.memory_space<hbm>> -> memref<1x160000xi32, #tpu.memory_space<hbm>>
        %dma_wait3A_49 = tpu.memref_squeeze %dma_wait3A_48 : memref<1x160000xi32, #tpu.memory_space<hbm>> -> memref<160000xi32, #tpu.memory_space<hbm>>
        %dma_wait3A_50 = tpu.memref_slice %dma_wait3A_49[%mul3A_2] : memref<160000xi32, #tpu.memory_space<hbm>> -> memref<5120xi32, #tpu.memory_space<hbm>>
        tpu.wait_dma2 semaphore(%run_scoped3A_35 : memref<!tpu.dma_semaphore, #tpu.memory_space<semaphore_mem>>) src(%dma_wait3A_50 : memref<5120xi32, #tpu.memory_space<hbm>>) dst(%arg6 : memref<5120xi32, #tpu.memory_space<vmem>>)
        tpu.yield
      }) : () -> ()
      %run_scoped3A_34 = arith.constant 1 : i32
      "tpu.region"() ({
        %run_scoped3A_35 = tpu.sem_alloc : memref<!tpu.dma_semaphore, #tpu.memory_space<semaphore_mem>>
        %dma_start3A_36 = arith.constant 0 : i32
        %dma_start3A_37 = tpu.memref_slice %arg3[%run_scoped3A_34, %dma_start3A_36] : memref<2x160000xi32, #tpu.memory_space<hbm>> -> memref<1x160000xi32, #tpu.memory_space<hbm>>
        %dma_start3A_38 = tpu.memref_squeeze %dma_start3A_37 : memref<1x160000xi32, #tpu.memory_space<hbm>> -> memref<160000xi32, #tpu.memory_space<hbm>>
        %dma_start3A_39 = tpu.memref_slice %dma_start3A_38[%mul3A_2] : memref<160000xi32, #tpu.memory_space<hbm>> -> memref<5120xi32, #tpu.memory_space<hbm>>
        %dma_start3A_40 = arith.constant 0 : i32
        %dma_start3A_41 = tpu.memref_slice %arg3[%run_scoped3A_34, %dma_start3A_40] : memref<2x160000xi32, #tpu.memory_space<hbm>> -> memref<1x160000xi32, #tpu.memory_space<hbm>>
        %dma_start3A_42 = tpu.memref_squeeze %dma_start3A_41 : memref<1x160000xi32, #tpu.memory_space<hbm>> -> memref<160000xi32, #tpu.memory_space<hbm>>
        %dma_start3A_43 = tpu.memref_slice %dma_start3A_42[%mul3A_2] : memref<160000xi32, #tpu.memory_space<hbm>> -> memref<5120xi32, #tpu.memory_space<hbm>>
        tpu.enqueue_dma source(%dma_start3A_43 : memref<5120xi32, #tpu.memory_space<hbm>>) target(%arg7 : memref<5120xi32, #tpu.memory_space<vmem>>) target_semaphore(%run_scoped3A_35 : memref<!tpu.dma_semaphore, #tpu.memory_space<semaphore_mem>>)
        %dma_wait3A = arith.constant 0 : i32
        %dma_wait3A_44 = tpu.memref_slice %arg3[%run_scoped3A_34, %dma_wait3A] : memref<2x160000xi32, #tpu.memory_space<hbm>> -> memref<1x160000xi32, #tpu.memory_space<hbm>>
        %dma_wait3A_45 = tpu.memref_squeeze %dma_wait3A_44 : memref<1x160000xi32, #tpu.memory_space<hbm>> -> memref<160000xi32, #tpu.memory_space<hbm>>
        %dma_wait3A_46 = tpu.memref_slice %dma_wait3A_45[%mul3A_2] : memref<160000xi32, #tpu.memory_space<hbm>> -> memref<5120xi32, #tpu.memory_space<hbm>>
        %dma_wait3A_47 = arith.constant 0 : i32
        %dma_wait3A_48 = tpu.memref_slice %arg3[%run_scoped3A_34, %dma_wait3A_47] : memref<2x160000xi32, #tpu.memory_space<hbm>> -> memref<1x160000xi32, #tpu.memory_space<hbm>>
        %dma_wait3A_49 = tpu.memref_squeeze %dma_wait3A_48 : memref<1x160000xi32, #tpu.memory_space<hbm>> -> memref<160000xi32, #tpu.memory_space<hbm>>
        %dma_wait3A_50 = tpu.memref_slice %dma_wait3A_49[%mul3A_2] : memref<160000xi32, #tpu.memory_space<hbm>> -> memref<5120xi32, #tpu.memory_space<hbm>>
        tpu.wait_dma2 semaphore(%run_scoped3A_35 : memref<!tpu.dma_semaphore, #tpu.memory_space<semaphore_mem>>) src(%dma_wait3A_50 : memref<5120xi32, #tpu.memory_space<hbm>>) dst(%arg7 : memref<5120xi32, #tpu.memory_space<vmem>>)
        tpu.yield
      }) : () -> ()
    } else {
    }
    %broadcast_in_dim3A = arith.constant 0 : i32
    %broadcast_in_dim3A_10 = vector.broadcast %broadcast_in_dim3A : i32 to vector<16xi32>
    %parallel_loop3A = arith.constant 0 : i32
    %parallel_loop3A_11 = arith.constant 1 : i32
    scf.for %parallel_loop3A_34 = %parallel_loop3A to %select_n3A step %parallel_loop3A_11  : i32 {
      %parallel_loop3A_35 = arith.constant 16 : i32
      %parallel_loop3A_36 = arith.muli %parallel_loop3A_34, %parallel_loop3A_35 : i32
      %parallel_loop3A_37 = arith.index_cast %parallel_loop3A_36 : i32 to index
      %parallel_loop3A_38 = tpu.vector_load %arg6[%parallel_loop3A_37] {strides = array<i32>} : memref<5120xi32, #tpu.memory_space<vmem>>, vector<16xi32>,
      %parallel_loop3A_39 = arith.constant 16 : i32
      %parallel_loop3A_40 = arith.muli %parallel_loop3A_34, %parallel_loop3A_39 : i32
      %parallel_loop3A_41 = arith.index_cast %parallel_loop3A_40 : i32 to index
      %parallel_loop3A_42 = tpu.vector_load %arg7[%parallel_loop3A_41] {strides = array<i32>} : memref<5120xi32, #tpu.memory_space<vmem>>, vector<16xi32>,
      %parallel_loop3A_43 = tpu.vector_load_idx %arg11[%broadcast_in_dim3A_10, %parallel_loop3A_38] : memref<1x10000xf32, #tpu.memory_space<vmem>>[vector<16xi32>, vector<16xi32>], vector<16xf32>,
      %parallel_loop3A_44 = tpu.vector_load_idx %arg11[%broadcast_in_dim3A_10, %parallel_loop3A_42] : memref<1x10000xf32, #tpu.memory_space<vmem>>[vector<16xi32>, vector<16xi32>], vector<16xf32>,
      %parallel_loop3A_45 = arith.addf %parallel_loop3A_43, %parallel_loop3A_44 : vector<16xf32>
      %parallel_loop3A_46 = arith.constant 16 : i32
      %parallel_loop3A_47 = arith.muli %parallel_loop3A_34, %parallel_loop3A_46 : i32
      %parallel_loop3A_48 = arith.index_cast %parallel_loop3A_47 : i32 to index
      %parallel_loop3A_49 = tpu.vector_load %arg10[%parallel_loop3A_48] {strides = array<i32>} : memref<5120xf32, #tpu.memory_space<vmem>>, vector<16xf32>,
      tpu.vector_store %arg10[%parallel_loop3A_48], %parallel_loop3A_45 {strides = array<i32>} : memref<5120xf32, #tpu.memory_space<vmem>>, vector<16xf32>,
    } {sc.loop_unroll_factor = 4 : i64, sc.parallel_access}
    %dma_start3A = arith.constant 0 : i32
    %dma_start3A_12 = arith.constant 0 : i32
    %dma_start3A_13 = arith.constant 0 : i32
    %dma_start3A_14 = tpu.memref_slice %arg2[%dma_start3A, %dma_start3A_12, %dma_start3A_13] : memref<32x4x10000xi32, #tpu.memory_space<hbm>> -> memref<1x4x10000xi32, #tpu.memory_space<hbm>>
    %dma_start3A_15 = tpu.memref_squeeze %dma_start3A_14 : memref<1x4x10000xi32, #tpu.memory_space<hbm>> -> memref<4x10000xi32, #tpu.memory_space<hbm>>
    %dma_start3A_16 = arith.constant 0 : i32
    %dma_start3A_17 = arith.constant 0 : i32
    %dma_start3A_18 = tpu.memref_slice %arg2[%dma_start3A, %dma_start3A_16, %dma_start3A_17] : memref<32x4x10000xi32, #tpu.memory_space<hbm>> -> memref<1x4x10000xi32, #tpu.memory_space<hbm>>
    %dma_start3A_19 = tpu.memref_squeeze %dma_start3A_18 : memref<1x4x10000xi32, #tpu.memory_space<hbm>> -> memref<4x10000xi32, #tpu.memory_space<hbm>>
    tpu.enqueue_dma source(%dma_start3A_19 : memref<4x10000xi32, #tpu.memory_space<hbm>>) target(%arg8 : memref<4x10000xi32, #tpu.memory_space<vmem>>) target_semaphore(%arg12 : memref<!tpu.dma_semaphore, #tpu.memory_space<semaphore_mem>>)
    %scan3A = arith.constant 0 : i32
    %scan3A_20 = arith.constant 0 : i32
    %scan3A_21 = arith.constant 16 : i32
    %scan3A_22 = arith.addi %scan3A_20, %scan3A_21 : i32
    %scan3A_23 = arith.constant 1 : i32
    %scan3A_24 = scf.for %scan3A_34 = %scan3A_20 to %scan3A_22 step %scan3A_23 iter_args(%scan3A_35 = %scan3A) -> (i32)  : i32 {
      %mul3A_36 = arith.constant 2 : i32
      %mul3A_37 = arith.muli %mul3A_36, %scan3A_34 : i32
      %add3A_38 = arith.constant 0 : i32
      %add3A_39 = arith.addi %mul3A_37, %add3A_38 : i32
      %dma_wait3A = arith.constant 0 : i32
      %dma_wait3A_40 = arith.constant 0 : i32
      %dma_wait3A_41 = arith.constant 0 : i32
      %dma_wait3A_42 = tpu.memref_slice %arg2[%dma_wait3A, %dma_wait3A_40, %dma_wait3A_41] : memref<32x4x10000xi32, #tpu.memory_space<hbm>> -> memref<1x4x10000xi32, #tpu.memory_space<hbm>>
      %dma_wait3A_43 = tpu.memref_squeeze %dma_wait3A_42 : memref<1x4x10000xi32, #tpu.memory_space<hbm>> -> memref<4x10000xi32, #tpu.memory_space<hbm>>
      %dma_wait3A_44 = arith.constant 0 : i32
      %dma_wait3A_45 = arith.constant 0 : i32
      %dma_wait3A_46 = tpu.memref_slice %arg2[%dma_wait3A, %dma_wait3A_44, %dma_wait3A_45] : memref<32x4x10000xi32, #tpu.memory_space<hbm>> -> memref<1x4x10000xi32, #tpu.memory_space<hbm>>
      %dma_wait3A_47 = tpu.memref_squeeze %dma_wait3A_46 : memref<1x4x10000xi32, #tpu.memory_space<hbm>> -> memref<4x10000xi32, #tpu.memory_space<hbm>>
      tpu.wait_dma2 semaphore(%arg12 : memref<!tpu.dma_semaphore, #tpu.memory_space<semaphore_mem>>) src(%dma_wait3A_47 : memref<4x10000xi32, #tpu.memory_space<hbm>>) dst(%arg8 : memref<4x10000xi32, #tpu.memory_space<vmem>>)
      %add3A_48 = arith.constant 1 : i32
      %add3A_49 = arith.addi %add3A_39, %add3A_48 : i32
      %lt3A = arith.constant 32 : i32
      %lt3A_50 = arith.cmpi slt, %add3A_49, %lt3A : i32
      %convert_element_type3A_51 = arith.extui %lt3A_50 : i1 to i32
      %cond3A_52 = arith.constant 0 : i32
      %cond3A_53 = arith.cmpi ne, %convert_element_type3A_51, %cond3A_52 : i32
      scf.if %cond3A_53 {
        %add3A_79 = arith.constant 1 : i32
        %add3A_80 = arith.addi %add3A_39, %add3A_79 : i32
        %dma_start3A_81 = arith.constant 0 : i32
        %dma_start3A_82 = arith.constant 0 : i32
        %dma_start3A_83 = tpu.memref_slice %arg2[%add3A_80, %dma_start3A_81, %dma_start3A_82] : memref<32x4x10000xi32, #tpu.memory_space<hbm>> -> memref<1x4x10000xi32, #tpu.memory_space<hbm>>
        %dma_start3A_84 = tpu.memref_squeeze %dma_start3A_83 : memref<1x4x10000xi32, #tpu.memory_space<hbm>> -> memref<4x10000xi32, #tpu.memory_space<hbm>>
        %dma_start3A_85 = arith.constant 0 : i32
        %dma_start3A_86 = arith.constant 0 : i32
        %dma_start3A_87 = tpu.memref_slice %arg2[%add3A_80, %dma_start3A_85, %dma_start3A_86] : memref<32x4x10000xi32, #tpu.memory_space<hbm>> -> memref<1x4x10000xi32, #tpu.memory_space<hbm>>
        %dma_start3A_88 = tpu.memref_squeeze %dma_start3A_87 : memref<1x4x10000xi32, #tpu.memory_space<hbm>> -> memref<4x10000xi32, #tpu.memory_space<hbm>>
        tpu.enqueue_dma source(%dma_start3A_88 : memref<4x10000xi32, #tpu.memory_space<hbm>>) target(%arg9 : memref<4x10000xi32, #tpu.memory_space<vmem>>) target_semaphore(%arg13 : memref<!tpu.dma_semaphore, #tpu.memory_space<semaphore_mem>>)
      } else {
      }
      %parallel_loop3A_54 = arith.constant 0 : i32
      %parallel_loop3A_55 = arith.constant 1 : i32
      scf.for %parallel_loop3A_79 = %parallel_loop3A_54 to %select_n3A step %parallel_loop3A_55  : i32 {
        %parallel_loop3A_80 = arith.constant 16 : i32
        %parallel_loop3A_81 = arith.muli %parallel_loop3A_79, %parallel_loop3A_80 : i32
        %parallel_loop3A_82 = arith.index_cast %parallel_loop3A_81 : i32 to index
        %parallel_loop3A_83 = tpu.vector_load %arg6[%parallel_loop3A_82] {strides = array<i32>} : memref<5120xi32, #tpu.memory_space<vmem>>, vector<16xi32>,
        %parallel_loop3A_84 = arith.constant 16 : i32
        %parallel_loop3A_85 = arith.muli %parallel_loop3A_79, %parallel_loop3A_84 : i32
        %parallel_loop3A_86 = arith.index_cast %parallel_loop3A_85 : i32 to index
        %parallel_loop3A_87 = tpu.vector_load %arg7[%parallel_loop3A_86] {strides = array<i32>} : memref<5120xi32, #tpu.memory_space<vmem>>, vector<16xi32>,
        %parallel_loop3A_88 = arith.constant 16 : i32
        %parallel_loop3A_89 = arith.muli %parallel_loop3A_79, %parallel_loop3A_88 : i32
        %parallel_loop3A_90 = arith.index_cast %parallel_loop3A_89 : i32 to index
        %parallel_loop3A_91 = tpu.vector_load %arg10[%parallel_loop3A_90] {strides = array<i32>} : memref<5120xf32, #tpu.memory_space<vmem>>, vector<16xf32>,
        %parallel_loop3A_92 = arith.constant 0 : i32
        %parallel_loop3A_93 = vector.broadcast %parallel_loop3A_92 : i32 to vector<16xi32>
        %parallel_loop3A_94 = arith.addi %broadcast_in_dim3A_10, %parallel_loop3A_93 : vector<16xi32>
        %parallel_loop3A_95 = tpu.vector_load_idx %arg8[%parallel_loop3A_94, %parallel_loop3A_83] : memref<4x10000xi32, #tpu.memory_space<vmem>>[vector<16xi32>, vector<16xi32>], vector<16xi32>,
        %parallel_loop3A_96 = tpu.vector_load_idx %arg8[%parallel_loop3A_94, %parallel_loop3A_87] : memref<4x10000xi32, #tpu.memory_space<vmem>>[vector<16xi32>, vector<16xi32>], vector<16xi32>,
        %parallel_loop3A_97 = vector.bitcast %parallel_loop3A_95 : vector<16xi32> to vector<32xbf16>
        %parallel_loop3A_98 = tpu.unpack_subelements %parallel_loop3A_97, 0 {pack_format = #tpu.pack_format<interleaved>} : vector<32xbf16> -> vector<16xf32>
        %parallel_loop3A_99 = tpu.unpack_subelements %parallel_loop3A_97, 1 {pack_format = #tpu.pack_format<interleaved>} : vector<32xbf16> -> vector<16xf32>
        %parallel_loop3A_100 = vector.bitcast %parallel_loop3A_96 : vector<16xi32> to vector<32xbf16>
        %parallel_loop3A_101 = tpu.unpack_subelements %parallel_loop3A_100, 0 {pack_format = #tpu.pack_format<interleaved>} : vector<32xbf16> -> vector<16xf32>
        %parallel_loop3A_102 = tpu.unpack_subelements %parallel_loop3A_100, 1 {pack_format = #tpu.pack_format<interleaved>} : vector<32xbf16> -> vector<16xf32>
        %parallel_loop3A_103 = arith.mulf %parallel_loop3A_98, %parallel_loop3A_101 : vector<16xf32>
        %parallel_loop3A_104 = arith.addf %parallel_loop3A_91, %parallel_loop3A_103 : vector<16xf32>
        %parallel_loop3A_105 = arith.mulf %parallel_loop3A_99, %parallel_loop3A_102 : vector<16xf32>
        %parallel_loop3A_106 = arith.addf %parallel_loop3A_104, %parallel_loop3A_105 : vector<16xf32>
        %parallel_loop3A_107 = arith.constant 1 : i32
        %parallel_loop3A_108 = vector.broadcast %parallel_loop3A_107 : i32 to vector<16xi32>
        %parallel_loop3A_109 = arith.addi %broadcast_in_dim3A_10, %parallel_loop3A_108 : vector<16xi32>
        %parallel_loop3A_110 = tpu.vector_load_idx %arg8[%parallel_loop3A_109, %parallel_loop3A_83] : memref<4x10000xi32, #tpu.memory_space<vmem>>[vector<16xi32>, vector<16xi32>], vector<16xi32>,
        %parallel_loop3A_111 = tpu.vector_load_idx %arg8[%parallel_loop3A_109, %parallel_loop3A_87] : memref<4x10000xi32, #tpu.memory_space<vmem>>[vector<16xi32>, vector<16xi32>], vector<16xi32>,
        %parallel_loop3A_112 = vector.bitcast %parallel_loop3A_110 : vector<16xi32> to vector<32xbf16>
        %parallel_loop3A_113 = tpu.unpack_subelements %parallel_loop3A_112, 0 {pack_format = #tpu.pack_format<interleaved>} : vector<32xbf16> -> vector<16xf32>
        %parallel_loop3A_114 = tpu.unpack_subelements %parallel_loop3A_112, 1 {pack_format = #tpu.pack_format<interleaved>} : vector<32xbf16> -> vector<16xf32>
        %parallel_loop3A_115 = vector.bitcast %parallel_loop3A_111 : vector<16xi32> to vector<32xbf16>
        %parallel_loop3A_116 = tpu.unpack_subelements %parallel_loop3A_115, 0 {pack_format = #tpu.pack_format<interleaved>} : vector<32xbf16> -> vector<16xf32>
        %parallel_loop3A_117 = tpu.unpack_subelements %parallel_loop3A_115, 1 {pack_format = #tpu.pack_format<interleaved>} : vector<32xbf16> -> vector<16xf32>
        %parallel_loop3A_118 = arith.mulf %parallel_loop3A_113, %parallel_loop3A_116 : vector<16xf32>
        %parallel_loop3A_119 = arith.addf %parallel_loop3A_106, %parallel_loop3A_118 : vector<16xf32>
        %parallel_loop3A_120 = arith.mulf %parallel_loop3A_114, %parallel_loop3A_117 : vector<16xf32>
        %parallel_loop3A_121 = arith.addf %parallel_loop3A_119, %parallel_loop3A_120 : vector<16xf32>
        %parallel_loop3A_122 = arith.constant 2 : i32
        %parallel_loop3A_123 = vector.broadcast %parallel_loop3A_122 : i32 to vector<16xi32>
        %parallel_loop3A_124 = arith.addi %broadcast_in_dim3A_10, %parallel_loop3A_123 : vector<16xi32>
        %parallel_loop3A_125 = tpu.vector_load_idx %arg8[%parallel_loop3A_124, %parallel_loop3A_83] : memref<4x10000xi32, #tpu.memory_space<vmem>>[vector<16xi32>, vector<16xi32>], vector<16xi32>,
        %parallel_loop3A_126 = tpu.vector_load_idx %arg8[%parallel_loop3A_124, %parallel_loop3A_87] : memref<4x10000xi32, #tpu.memory_space<vmem>>[vector<16xi32>, vector<16xi32>], vector<16xi32>,
        %parallel_loop3A_127 = vector.bitcast %parallel_loop3A_125 : vector<16xi32> to vector<32xbf16>
        %parallel_loop3A_128 = tpu.unpack_subelements %parallel_loop3A_127, 0 {pack_format = #tpu.pack_format<interleaved>} : vector<32xbf16> -> vector<16xf32>
        %parallel_loop3A_129 = tpu.unpack_subelements %parallel_loop3A_127, 1 {pack_format = #tpu.pack_format<interleaved>} : vector<32xbf16> -> vector<16xf32>
        %parallel_loop3A_130 = vector.bitcast %parallel_loop3A_126 : vector<16xi32> to vector<32xbf16>
        %parallel_loop3A_131 = tpu.unpack_subelements %parallel_loop3A_130, 0 {pack_format = #tpu.pack_format<interleaved>} : vector<32xbf16> -> vector<16xf32>
        %parallel_loop3A_132 = tpu.unpack_subelements %parallel_loop3A_130, 1 {pack_format = #tpu.pack_format<interleaved>} : vector<32xbf16> -> vector<16xf32>
        %parallel_loop3A_133 = arith.mulf %parallel_loop3A_128, %parallel_loop3A_131 : vector<16xf32>
        %parallel_loop3A_134 = arith.addf %parallel_loop3A_121, %parallel_loop3A_133 : vector<16xf32>
        %parallel_loop3A_135 = arith.mulf %parallel_loop3A_129, %parallel_loop3A_132 : vector<16xf32>
        %parallel_loop3A_136 = arith.addf %parallel_loop3A_134, %parallel_loop3A_135 : vector<16xf32>
        %parallel_loop3A_137 = arith.constant 3 : i32
        %parallel_loop3A_138 = vector.broadcast %parallel_loop3A_137 : i32 to vector<16xi32>
        %parallel_loop3A_139 = arith.addi %broadcast_in_dim3A_10, %parallel_loop3A_138 : vector<16xi32>
        %parallel_loop3A_140 = tpu.vector_load_idx %arg8[%parallel_loop3A_139, %parallel_loop3A_83] : memref<4x10000xi32, #tpu.memory_space<vmem>>[vector<16xi32>, vector<16xi32>], vector<16xi32>,
        %parallel_loop3A_141 = tpu.vector_load_idx %arg8[%parallel_loop3A_139, %parallel_loop3A_87] : memref<4x10000xi32, #tpu.memory_space<vmem>>[vector<16xi32>, vector<16xi32>], vector<16xi32>,
        %parallel_loop3A_142 = vector.bitcast %parallel_loop3A_140 : vector<16xi32> to vector<32xbf16>
        %parallel_loop3A_143 = tpu.unpack_subelements %parallel_loop3A_142, 0 {pack_format = #tpu.pack_format<interleaved>} : vector<32xbf16> -> vector<16xf32>
        %parallel_loop3A_144 = tpu.unpack_subelements %parallel_loop3A_142, 1 {pack_format = #tpu.pack_format<interleaved>} : vector<32xbf16> -> vector<16xf32>
        %parallel_loop3A_145 = vector.bitcast %parallel_loop3A_141 : vector<16xi32> to vector<32xbf16>
        %parallel_loop3A_146 = tpu.unpack_subelements %parallel_loop3A_145, 0 {pack_format = #tpu.pack_format<interleaved>} : vector<32xbf16> -> vector<16xf32>
        %parallel_loop3A_147 = tpu.unpack_subelements %parallel_loop3A_145, 1 {pack_format = #tpu.pack_format<interleaved>} : vector<32xbf16> -> vector<16xf32>
        %parallel_loop3A_148 = arith.mulf %parallel_loop3A_143, %parallel_loop3A_146 : vector<16xf32>
        %parallel_loop3A_149 = arith.addf %parallel_loop3A_136, %parallel_loop3A_148 : vector<16xf32>
        %parallel_loop3A_150 = arith.mulf %parallel_loop3A_144, %parallel_loop3A_147 : vector<16xf32>
        %parallel_loop3A_151 = arith.addf %parallel_loop3A_149, %parallel_loop3A_150 : vector<16xf32>
        %parallel_loop3A_152 = arith.constant 16 : i32
        %parallel_loop3A_153 = arith.muli %parallel_loop3A_79, %parallel_loop3A_152 : i32
        %parallel_loop3A_154 = arith.index_cast %parallel_loop3A_153 : i32 to index
        %parallel_loop3A_155 = tpu.vector_load %arg10[%parallel_loop3A_154] {strides = array<i32>} : memref<5120xf32, #tpu.memory_space<vmem>>, vector<16xf32>,
        tpu.vector_store %arg10[%parallel_loop3A_154], %parallel_loop3A_151 {strides = array<i32>} : memref<5120xf32, #tpu.memory_space<vmem>>, vector<16xf32>,
      } {sc.loop_unroll_factor = 4 : i64, sc.parallel_access}
      %mul3A_56 = arith.constant 2 : i32
      %mul3A_57 = arith.muli %mul3A_56, %scan3A_34 : i32
      %add3A_58 = arith.constant 1 : i32
      %add3A_59 = arith.addi %mul3A_57, %add3A_58 : i32
      %dma_wait3A_60 = arith.constant 0 : i32
      %dma_wait3A_61 = arith.constant 0 : i32
      %dma_wait3A_62 = arith.constant 0 : i32
      %dma_wait3A_63 = tpu.memref_slice %arg2[%dma_wait3A_60, %dma_wait3A_61, %dma_wait3A_62] : memref<32x4x10000xi32, #tpu.memory_space<hbm>> -> memref<1x4x10000xi32, #tpu.memory_space<hbm>>
      %dma_wait3A_64 = tpu.memref_squeeze %dma_wait3A_63 : memref<1x4x10000xi32, #tpu.memory_space<hbm>> -> memref<4x10000xi32, #tpu.memory_space<hbm>>
      %dma_wait3A_65 = arith.constant 0 : i32
      %dma_wait3A_66 = arith.constant 0 : i32
      %dma_wait3A_67 = tpu.memref_slice %arg2[%dma_wait3A_60, %dma_wait3A_65, %dma_wait3A_66] : memref<32x4x10000xi32, #tpu.memory_space<hbm>> -> memref<1x4x10000xi32, #tpu.memory_space<hbm>>
      %dma_wait3A_68 = tpu.memref_squeeze %dma_wait3A_67 : memref<1x4x10000xi32, #tpu.memory_space<hbm>> -> memref<4x10000xi32, #tpu.memory_space<hbm>>
      tpu.wait_dma2 semaphore(%arg13 : memref<!tpu.dma_semaphore, #tpu.memory_space<semaphore_mem>>) src(%dma_wait3A_68 : memref<4x10000xi32, #tpu.memory_space<hbm>>) dst(%arg9 : memref<4x10000xi32, #tpu.memory_space<vmem>>)
      %add3A_69 = arith.constant 1 : i32
      %add3A_70 = arith.addi %add3A_59, %add3A_69 : i32
      %lt3A_71 = arith.constant 32 : i32
      %lt3A_72 = arith.cmpi slt, %add3A_70, %lt3A_71 : i32
      %convert_element_type3A_73 = arith.extui %lt3A_72 : i1 to i32
      %cond3A_74 = arith.constant 0 : i32
      %cond3A_75 = arith.cmpi ne, %convert_element_type3A_73, %cond3A_74 : i32
      scf.if %cond3A_75 {
        %add3A_79 = arith.constant 1 : i32
        %add3A_80 = arith.addi %add3A_59, %add3A_79 : i32
        %dma_start3A_81 = arith.constant 0 : i32
        %dma_start3A_82 = arith.constant 0 : i32
        %dma_start3A_83 = tpu.memref_slice %arg2[%add3A_80, %dma_start3A_81, %dma_start3A_82] : memref<32x4x10000xi32, #tpu.memory_space<hbm>> -> memref<1x4x10000xi32, #tpu.memory_space<hbm>>
        %dma_start3A_84 = tpu.memref_squeeze %dma_start3A_83 : memref<1x4x10000xi32, #tpu.memory_space<hbm>> -> memref<4x10000xi32, #tpu.memory_space<hbm>>
        %dma_start3A_85 = arith.constant 0 : i32
        %dma_start3A_86 = arith.constant 0 : i32
        %dma_start3A_87 = tpu.memref_slice %arg2[%add3A_80, %dma_start3A_85, %dma_start3A_86] : memref<32x4x10000xi32, #tpu.memory_space<hbm>> -> memref<1x4x10000xi32, #tpu.memory_space<hbm>>
        %dma_start3A_88 = tpu.memref_squeeze %dma_start3A_87 : memref<1x4x10000xi32, #tpu.memory_space<hbm>> -> memref<4x10000xi32, #tpu.memory_space<hbm>>
        tpu.enqueue_dma source(%dma_start3A_88 : memref<4x10000xi32, #tpu.memory_space<hbm>>) target(%arg8 : memref<4x10000xi32, #tpu.memory_space<vmem>>) target_semaphore(%arg12 : memref<!tpu.dma_semaphore, #tpu.memory_space<semaphore_mem>>)
      } else {
      }
      %parallel_loop3A_76 = arith.constant 0 : i32
      %parallel_loop3A_77 = arith.constant 1 : i32
      scf.for %parallel_loop3A_79 = %parallel_loop3A_76 to %select_n3A step %parallel_loop3A_77  : i32 {
        %parallel_loop3A_80 = arith.constant 16 : i32
        %parallel_loop3A_81 = arith.muli %parallel_loop3A_79, %parallel_loop3A_80 : i32
        %parallel_loop3A_82 = arith.index_cast %parallel_loop3A_81 : i32 to index
        %parallel_loop3A_83 = tpu.vector_load %arg6[%parallel_loop3A_82] {strides = array<i32>} : memref<5120xi32, #tpu.memory_space<vmem>>, vector<16xi32>,
        %parallel_loop3A_84 = arith.constant 16 : i32
        %parallel_loop3A_85 = arith.muli %parallel_loop3A_79, %parallel_loop3A_84 : i32
        %parallel_loop3A_86 = arith.index_cast %parallel_loop3A_85 : i32 to index
        %parallel_loop3A_87 = tpu.vector_load %arg7[%parallel_loop3A_86] {strides = array<i32>} : memref<5120xi32, #tpu.memory_space<vmem>>, vector<16xi32>,
        %parallel_loop3A_88 = arith.constant 16 : i32
        %parallel_loop3A_89 = arith.muli %parallel_loop3A_79, %parallel_loop3A_88 : i32
        %parallel_loop3A_90 = arith.index_cast %parallel_loop3A_89 : i32 to index
        %parallel_loop3A_91 = tpu.vector_load %arg10[%parallel_loop3A_90] {strides = array<i32>} : memref<5120xf32, #tpu.memory_space<vmem>>, vector<16xf32>,
        %parallel_loop3A_92 = arith.constant 0 : i32
        %parallel_loop3A_93 = vector.broadcast %parallel_loop3A_92 : i32 to vector<16xi32>
        %parallel_loop3A_94 = arith.addi %broadcast_in_dim3A_10, %parallel_loop3A_93 : vector<16xi32>
        %parallel_loop3A_95 = tpu.vector_load_idx %arg9[%parallel_loop3A_94, %parallel_loop3A_83] : memref<4x10000xi32, #tpu.memory_space<vmem>>[vector<16xi32>, vector<16xi32>], vector<16xi32>,
        %parallel_loop3A_96 = tpu.vector_load_idx %arg9[%parallel_loop3A_94, %parallel_loop3A_87] : memref<4x10000xi32, #tpu.memory_space<vmem>>[vector<16xi32>, vector<16xi32>], vector<16xi32>,
        %parallel_loop3A_97 = vector.bitcast %parallel_loop3A_95 : vector<16xi32> to vector<32xbf16>
        %parallel_loop3A_98 = tpu.unpack_subelements %parallel_loop3A_97, 0 {pack_format = #tpu.pack_format<interleaved>} : vector<32xbf16> -> vector<16xf32>
        %parallel_loop3A_99 = tpu.unpack_subelements %parallel_loop3A_97, 1 {pack_format = #tpu.pack_format<interleaved>} : vector<32xbf16> -> vector<16xf32>
        %parallel_loop3A_100 = vector.bitcast %parallel_loop3A_96 : vector<16xi32> to vector<32xbf16>
        %parallel_loop3A_101 = tpu.unpack_subelements %parallel_loop3A_100, 0 {pack_format = #tpu.pack_format<interleaved>} : vector<32xbf16> -> vector<16xf32>
        %parallel_loop3A_102 = tpu.unpack_subelements %parallel_loop3A_100, 1 {pack_format = #tpu.pack_format<interleaved>} : vector<32xbf16> -> vector<16xf32>
        %parallel_loop3A_103 = arith.mulf %parallel_loop3A_98, %parallel_loop3A_101 : vector<16xf32>
        %parallel_loop3A_104 = arith.addf %parallel_loop3A_91, %parallel_loop3A_103 : vector<16xf32>
        %parallel_loop3A_105 = arith.mulf %parallel_loop3A_99, %parallel_loop3A_102 : vector<16xf32>
        %parallel_loop3A_106 = arith.addf %parallel_loop3A_104, %parallel_loop3A_105 : vector<16xf32>
        %parallel_loop3A_107 = arith.constant 1 : i32
        %parallel_loop3A_108 = vector.broadcast %parallel_loop3A_107 : i32 to vector<16xi32>
        %parallel_loop3A_109 = arith.addi %broadcast_in_dim3A_10, %parallel_loop3A_108 : vector<16xi32>
        %parallel_loop3A_110 = tpu.vector_load_idx %arg9[%parallel_loop3A_109, %parallel_loop3A_83] : memref<4x10000xi32, #tpu.memory_space<vmem>>[vector<16xi32>, vector<16xi32>], vector<16xi32>,
        %parallel_loop3A_111 = tpu.vector_load_idx %arg9[%parallel_loop3A_109, %parallel_loop3A_87] : memref<4x10000xi32, #tpu.memory_space<vmem>>[vector<16xi32>, vector<16xi32>], vector<16xi32>,
        %parallel_loop3A_112 = vector.bitcast %parallel_loop3A_110 : vector<16xi32> to vector<32xbf16>
        %parallel_loop3A_113 = tpu.unpack_subelements %parallel_loop3A_112, 0 {pack_format = #tpu.pack_format<interleaved>} : vector<32xbf16> -> vector<16xf32>
        %parallel_loop3A_114 = tpu.unpack_subelements %parallel_loop3A_112, 1 {pack_format = #tpu.pack_format<interleaved>} : vector<32xbf16> -> vector<16xf32>
        %parallel_loop3A_115 = vector.bitcast %parallel_loop3A_111 : vector<16xi32> to vector<32xbf16>
        %parallel_loop3A_116 = tpu.unpack_subelements %parallel_loop3A_115, 0 {pack_format = #tpu.pack_format<interleaved>} : vector<32xbf16> -> vector<16xf32>
        %parallel_loop3A_117 = tpu.unpack_subelements %parallel_loop3A_115, 1 {pack_format = #tpu.pack_format<interleaved>} : vector<32xbf16> -> vector<16xf32>
        %parallel_loop3A_118 = arith.mulf %parallel_loop3A_113, %parallel_loop3A_116 : vector<16xf32>
        %parallel_loop3A_119 = arith.addf %parallel_loop3A_106, %parallel_loop3A_118 : vector<16xf32>
        %parallel_loop3A_120 = arith.mulf %parallel_loop3A_114, %parallel_loop3A_117 : vector<16xf32>
        %parallel_loop3A_121 = arith.addf %parallel_loop3A_119, %parallel_loop3A_120 : vector<16xf32>
        %parallel_loop3A_122 = arith.constant 2 : i32
        %parallel_loop3A_123 = vector.broadcast %parallel_loop3A_122 : i32 to vector<16xi32>
        %parallel_loop3A_124 = arith.addi %broadcast_in_dim3A_10, %parallel_loop3A_123 : vector<16xi32>
        %parallel_loop3A_125 = tpu.vector_load_idx %arg9[%parallel_loop3A_124, %parallel_loop3A_83] : memref<4x10000xi32, #tpu.memory_space<vmem>>[vector<16xi32>, vector<16xi32>], vector<16xi32>,
        %parallel_loop3A_126 = tpu.vector_load_idx %arg9[%parallel_loop3A_124, %parallel_loop3A_87] : memref<4x10000xi32, #tpu.memory_space<vmem>>[vector<16xi32>, vector<16xi32>], vector<16xi32>,
        %parallel_loop3A_127 = vector.bitcast %parallel_loop3A_125 : vector<16xi32> to vector<32xbf16>
        %parallel_loop3A_128 = tpu.unpack_subelements %parallel_loop3A_127, 0 {pack_format = #tpu.pack_format<interleaved>} : vector<32xbf16> -> vector<16xf32>
        %parallel_loop3A_129 = tpu.unpack_subelements %parallel_loop3A_127, 1 {pack_format = #tpu.pack_format<interleaved>} : vector<32xbf16> -> vector<16xf32>
        %parallel_loop3A_130 = vector.bitcast %parallel_loop3A_126 : vector<16xi32> to vector<32xbf16>
        %parallel_loop3A_131 = tpu.unpack_subelements %parallel_loop3A_130, 0 {pack_format = #tpu.pack_format<interleaved>} : vector<32xbf16> -> vector<16xf32>
        %parallel_loop3A_132 = tpu.unpack_subelements %parallel_loop3A_130, 1 {pack_format = #tpu.pack_format<interleaved>} : vector<32xbf16> -> vector<16xf32>
        %parallel_loop3A_133 = arith.mulf %parallel_loop3A_128, %parallel_loop3A_131 : vector<16xf32>
        %parallel_loop3A_134 = arith.addf %parallel_loop3A_121, %parallel_loop3A_133 : vector<16xf32>
        %parallel_loop3A_135 = arith.mulf %parallel_loop3A_129, %parallel_loop3A_132 : vector<16xf32>
        %parallel_loop3A_136 = arith.addf %parallel_loop3A_134, %parallel_loop3A_135 : vector<16xf32>
        %parallel_loop3A_137 = arith.constant 3 : i32
        %parallel_loop3A_138 = vector.broadcast %parallel_loop3A_137 : i32 to vector<16xi32>
        %parallel_loop3A_139 = arith.addi %broadcast_in_dim3A_10, %parallel_loop3A_138 : vector<16xi32>
        %parallel_loop3A_140 = tpu.vector_load_idx %arg9[%parallel_loop3A_139, %parallel_loop3A_83] : memref<4x10000xi32, #tpu.memory_space<vmem>>[vector<16xi32>, vector<16xi32>], vector<16xi32>,
        %parallel_loop3A_141 = tpu.vector_load_idx %arg9[%parallel_loop3A_139, %parallel_loop3A_87] : memref<4x10000xi32, #tpu.memory_space<vmem>>[vector<16xi32>, vector<16xi32>], vector<16xi32>,
        %parallel_loop3A_142 = vector.bitcast %parallel_loop3A_140 : vector<16xi32> to vector<32xbf16>
        %parallel_loop3A_143 = tpu.unpack_subelements %parallel_loop3A_142, 0 {pack_format = #tpu.pack_format<interleaved>} : vector<32xbf16> -> vector<16xf32>
        %parallel_loop3A_144 = tpu.unpack_subelements %parallel_loop3A_142, 1 {pack_format = #tpu.pack_format<interleaved>} : vector<32xbf16> -> vector<16xf32>
        %parallel_loop3A_145 = vector.bitcast %parallel_loop3A_141 : vector<16xi32> to vector<32xbf16>
        %parallel_loop3A_146 = tpu.unpack_subelements %parallel_loop3A_145, 0 {pack_format = #tpu.pack_format<interleaved>} : vector<32xbf16> -> vector<16xf32>
        %parallel_loop3A_147 = tpu.unpack_subelements %parallel_loop3A_145, 1 {pack_format = #tpu.pack_format<interleaved>} : vector<32xbf16> -> vector<16xf32>
        %parallel_loop3A_148 = arith.mulf %parallel_loop3A_143, %parallel_loop3A_146 : vector<16xf32>
        %parallel_loop3A_149 = arith.addf %parallel_loop3A_136, %parallel_loop3A_148 : vector<16xf32>
        %parallel_loop3A_150 = arith.mulf %parallel_loop3A_144, %parallel_loop3A_147 : vector<16xf32>
        %parallel_loop3A_151 = arith.addf %parallel_loop3A_149, %parallel_loop3A_150 : vector<16xf32>
        %parallel_loop3A_152 = arith.constant 16 : i32
        %parallel_loop3A_153 = arith.muli %parallel_loop3A_79, %parallel_loop3A_152 : i32
        %parallel_loop3A_154 = arith.index_cast %parallel_loop3A_153 : i32 to index
        %parallel_loop3A_155 = tpu.vector_load %arg10[%parallel_loop3A_154] {strides = array<i32>} : memref<5120xf32, #tpu.memory_space<vmem>>, vector<16xf32>,
        tpu.vector_store %arg10[%parallel_loop3A_154], %parallel_loop3A_151 {strides = array<i32>} : memref<5120xf32, #tpu.memory_space<vmem>>, vector<16xf32>,
      } {sc.loop_unroll_factor = 4 : i64, sc.parallel_access}
      %scan3A_78 = arith.constant 0 : i32
      scf.yield %scan3A_78 : i32
    }
    %scan3A_25 = arith.constant 16 : i32
    %convert_element_type3A_26 = arith.extui %eq3A_3 : i1 to i32
    %cond3A_27 = arith.constant 0 : i32
    %cond3A_28 = arith.cmpi ne, %convert_element_type3A_26, %cond3A_27 : i32
    scf.if %cond3A_28 {
      "tpu.region"() ({
        %run_scoped3A = tpu.sem_alloc : memref<!tpu.dma_semaphore, #tpu.memory_space<semaphore_mem>>
        %dma_start3A_34 = arith.constant 0 : i32
        %dma_start3A_35 = tpu.memref_slice %arg10[%dma_start3A_34] : memref<5120xf32, #tpu.memory_space<vmem>> -> memref<1280xf32, #tpu.memory_space<vmem>>
        %dma_start3A_36 = tpu.memref_slice %arg5[%mul3A_2] : memref<160000xf32, #tpu.memory_space<hbm>> -> memref<1280xf32, #tpu.memory_space<hbm>>
        %dma_start3A_37 = tpu.memref_slice %arg5[%mul3A_2] : memref<160000xf32, #tpu.memory_space<hbm>> -> memref<1280xf32, #tpu.memory_space<hbm>>
        %dma_start3A_38 = arith.constant 0 : i32
        %dma_start3A_39 = tpu.memref_slice %arg10[%dma_start3A_38] : memref<5120xf32, #tpu.memory_space<vmem>> -> memref<1280xf32, #tpu.memory_space<vmem>>
        tpu.enqueue_dma source(%dma_start3A_39 : memref<1280xf32, #tpu.memory_space<vmem>>) target(%dma_start3A_37 : memref<1280xf32, #tpu.memory_space<hbm>>) target_semaphore(%run_scoped3A : memref<!tpu.dma_semaphore, #tpu.memory_space<semaphore_mem>>)
        %dma_wait3A = arith.constant 0 : i32
        %dma_wait3A_40 = tpu.memref_slice %arg10[%dma_wait3A] : memref<5120xf32, #tpu.memory_space<vmem>> -> memref<1280xf32, #tpu.memory_space<vmem>>
        %dma_wait3A_41 = tpu.memref_slice %arg5[%mul3A_2] : memref<160000xf32, #tpu.memory_space<hbm>> -> memref<1280xf32, #tpu.memory_space<hbm>>
        %dma_wait3A_42 = tpu.memref_slice %arg5[%mul3A_2] : memref<160000xf32, #tpu.memory_space<hbm>> -> memref<1280xf32, #tpu.memory_space<hbm>>
        %dma_wait3A_43 = arith.constant 0 : i32
        %dma_wait3A_44 = tpu.memref_slice %arg10[%dma_wait3A_43] : memref<5120xf32, #tpu.memory_space<vmem>> -> memref<1280xf32, #tpu.memory_space<vmem>>
        tpu.wait_dma2 semaphore(%run_scoped3A : memref<!tpu.dma_semaphore, #tpu.memory_space<semaphore_mem>>) src(%dma_wait3A_44 : memref<1280xf32, #tpu.memory_space<vmem>>) dst(%dma_wait3A_42 : memref<1280xf32, #tpu.memory_space<hbm>>)
        tpu.yield
      }) : () -> ()
    } else {
    }
    %not3A_29 = arith.constant true
    %not3A_30 = arith.xori %eq3A_3, %not3A_29 : i1
    %convert_element_type3A_31 = arith.extui %not3A_30 : i1 to i32
    %cond3A_32 = arith.constant 0 : i32
    %cond3A_33 = arith.cmpi ne, %convert_element_type3A_31, %cond3A_32 : i32
    scf.if %cond3A_33 {
      "tpu.region"() ({
        %run_scoped3A = tpu.sem_alloc : memref<!tpu.dma_semaphore, #tpu.memory_space<semaphore_mem>>
        %dma_start3A_34 = tpu.memref_slice %arg5[%mul3A_2] : memref<160000xf32, #tpu.memory_space<hbm>> -> memref<5120xf32, #tpu.memory_space<hbm>>
        %dma_start3A_35 = tpu.memref_slice %arg5[%mul3A_2] : memref<160000xf32, #tpu.memory_space<hbm>> -> memref<5120xf32, #tpu.memory_space<hbm>>
        tpu.enqueue_dma source(%arg10 : memref<5120xf32, #tpu.memory_space<vmem>>) target(%dma_start3A_35 : memref<5120xf32, #tpu.memory_space<hbm>>) target_semaphore(%run_scoped3A : memref<!tpu.dma_semaphore, #tpu.memory_space<semaphore_mem>>)
        %dma_wait3A = tpu.memref_slice %arg5[%mul3A_2] : memref<160000xf32, #tpu.memory_space<hbm>> -> memref<5120xf32, #tpu.memory_space<hbm>>
        %dma_wait3A_36 = tpu.memref_slice %arg5[%mul3A_2] : memref<160000xf32, #tpu.memory_space<hbm>> -> memref<5120xf32, #tpu.memory_space<hbm>>
        tpu.wait_dma2 semaphore(%run_scoped3A : memref<!tpu.dma_semaphore, #tpu.memory_space<semaphore_mem>>) src(%arg10 : memref<5120xf32, #tpu.memory_space<vmem>>) dst(%dma_wait3A_36 : memref<5120xf32, #tpu.memory_space<hbm>>)
        tpu.yield
      }) : () -> ()
    } else {
    }
    return
  }
}

</mosaic_0001>

<sc_bundles>
// kernel: kernel.3.cloned.1.call-start
scs
__scs_entry_jumppad:
0x0: {  	(pc) =	sbr.rel $0x88, $3  }
0x1: {  	(tag) =	ssettag $0x0;
	lr =	simm.s32 $0x1  }
0x2: {  	[smem:$0x3F9E] =	sst lr;
	_ =	strace $0xD0000000  }
0x3: {  	_ = 	snop  }
0x4: {  	_ = 	snop  }
0x5: {  	_ = 	snop  }
0x6: {  	_ = 	snop  }
0x7: {  	_ = 	snop  }
__scs_overlays_trampoline_lowered:
0x8: {  	[smem:$0x3FAD] =	sst s0  }
0x9: {  	[smem:$0x3FAE] =	sst s1  }
0xa: {  	[smem:$0x3FAF] =	sst s2  }
0xb: {  	[smem:$0x3FB0] =	sst s3  }
0xc: {  	[smem:$0x3FB1] =	sst s4  }
0xd: {  	[smem:$0x3FB2] =	sst s5  }
0xe: {  	[smem:$0x3FB3] =	sst s6  }
0xf: {  	[smem:$0x3FB4] =	sst s7  }
0x10: {  	[smem:$0x3FB5] =	sst s8  }
0x11: {  	[smem:$0x3FB6] =	sst s9;
	s0 =	simm.s32 @!p0 $0x0  }
0x12: {  	s1 =	sld [smem:$0x3F9C];
	s0 =	simm.s32 @p0 $0x1  }
0x13: {  	[smem:$0x3FB7] =	sst s0;
	s0 =	simm.s32 @!p1 $0x0  }
0x14: {  	s2 =	sld [smem:$0x3F9B];
	s0 =	simm.s32 @p1 $0x1  }
0x15: {  	[smem:$0x3FB8] =	sst s0;
	s0 =	simm.s32 @!p2 $0x0  }
0x16: {  	s3 =	sld [smem:$0x3FDB];
	s0 =	simm.s32 @p2 $0x1  }
0x17: {  	s4 =	simm.s32 $0x1BF5;
	[smem:$0x3FBA] =	sst s0  }
0x18: {  	s0 =	sld [smem:$0x3F9D];
	_ =	swait.ge [sflag:s4], $0x0  }
0x19: {  	s7 =	sld [smem:$0x3F9E]  }
0x1a: {  	s8 =	sadd.s32 $0xFFFFE003, lr  }
0x1b: {  	s9 =	sadd.s32 $0xFFFFFEF7, lr;
	s5 =	simm.s32 $0xFFFFFFFF;
	p2 =	slt.u32 s8, $0xFFFFF086  }
0x1c: {  	p1 =	slt.u32 s9, $0xF7A;
	s5 =	simm.s32 @!p2 $0x0  }
0x1d: {  	s5 =	simm.s32 @p1 $0x1;
	p0 =	seq.s32 s7, s2  }
0x1e: {  	s7 =	smul.u32 @!p0 $0xF7A, s2;
	p2 =	seq.s32 @!p0 s5, $0x0  }
0x1f: {  	s9 =	smul.u32 $0xF7A, s1;
	s8 =	simm.s32 @!p0 $0x1BF5;
	p2 =	por !p2, p0  }
0x20: {  	[sflag:s8] =	ssyncset.s32 @!p0 $0xFFFFF086;
	s6 =	sadd.s32 @!p0 s3, s7;
	s7 =	simm.s32 @!p0 $0x108  }
0x21: {  	s3 =	sadd.s32 s3, s9;
	s6 =	sadd.s32 @!p0 $0x88, s6;
	s7 =	simm.s32 @p2 $0x1082  }
0x22: {  	[simem:s7], [sflag:s8] =	dma.local @!p0 [hbm:s6], $0xF7A  }
0x23: {  	s9 =	sor.u32 $0xD0000000, s2;
	s6 =	simm.s32 $0x108;
	_ =	swait.ge @!p0 [sflag:s8], $0x0  }
0x24: {  	s3 =	sadd.s32 $0x88, s3;
	s6 =	simm.s32 @!p1 $0x1082;
	[sflag:s4] =	ssyncset.s32 $0xFFFFF086  }
0x25: {  	[simem:s6], [sflag:s4] =	dma.local [hbm:s3], $0xF7A  }
0x26: {  	[smem:$0x3F9E] =	sst s1;
	(tag) =	ssettag s2;
	_ =	strace s9  }
0x27: {  	s1 =	sld [smem:$0x3FAE]  }
0x28: {  	s2 =	sld [smem:$0x3FAF]  }
0x29: {  	s4 =	sld [smem:$0x3FB1]  }
0x2a: {  	p0 =	seq.s32 s5, $0x0;
	s5 =	sld [smem:$0x3FB2]  }
0x2b: {  	s6 =	sld [smem:$0x3FB3]  }
0x2c: {  	s7 =	sld [smem:$0x3FB4]  }
0x2d: {  	s3 =	simm.s32 $0x108;
	s8 =	sld [smem:$0x3FB5]  }
0x2e: {  	s3 =	simm.s32 @!p0 $0x1082;
	s9 =	sld [smem:$0x3FB6]  }
0x2f: {  	lr =	sadd.s32 s0, s3;
	s0 =	sld [smem:$0x3FAD]  }
0x30: {  	s3 =	sld [smem:$0x3FB0]  }
0x31: {  	[smem:$0x3FB9] =	sst s10  }
0x32: {  	s10 =	sld [smem:$0x3FB7];
	_ =	sdelay $0x3  }
0x33: {  	p0 =	seq.s32 s10, $0x1;
	s10 =	sld [smem:$0x3FB9];
	_ =	sdelay $0x3  }
0x34: {  	[smem:$0x3FB9] =	sst s10  }
0x35: {  	s10 =	sld [smem:$0x3FB8];
	_ =	sdelay $0x3  }
0x36: {  	p1 =	seq.s32 s10, $0x1;
	s10 =	sld [smem:$0x3FB9];
	_ =	sdelay $0x3  }
0x37: {  	[smem:$0x3FB9] =	sst s10  }
0x38: {  	s10 =	sld [smem:$0x3FBA]  }
0x39: {  	_ = 	snop;
	(pc) =	sbr.ind lr, $3  }
0x3a: {  	_ = 	snop  }
0x3b: {  	_ = 	snop  }
0x3c: {  	p2 =	seq.s32 s10, $0x1;
	s10 =	sld [smem:$0x3FB9]  }
0x3d: {  	_ =	shalt  }
0x3e: {  	_ =	shalt  }
0x3f: {  	_ =	shalt  }
0x40: {  	_ =	shalt  }
0x41: {  	_ =	shalt  }
0x42: {  	_ =	shalt  }
0x43: {  	_ =	shalt  }
0x44: {  	_ =	shalt  }
0x45: {  	_ =	shalt  }
0x46: {  	_ =	shalt  }
0x47: {  	_ =	shalt  }
0x48: {  	_ =	shalt  }
0x49: {  	_ =	shalt  }
0x4a: {  	_ =	shalt  }
0x4b: {  	_ =	shalt  }
0x4c: {  	_ =	shalt  }
0x4d: {  	_ =	shalt  }
0x4e: {  	_ =	shalt  }
0x4f: {  	_ =	shalt  }
0x50: {  	_ =	shalt  }
0x51: {  	_ =	shalt  }
0x52: {  	_ =	shalt  }
0x53: {  	_ =	shalt  }
0x54: {  	_ =	shalt  }
0x55: {  	_ =	shalt  }
0x56: {  	_ =	shalt  }
0x57: {  	_ =	shalt  }
0x58: {  	_ =	shalt  }
0x59: {  	_ =	shalt  }
0x5a: {  	_ =	shalt  }
0x5b: {  	_ =	shalt  }
0x5c: {  	_ =	shalt  }
0x5d: {  	_ =	shalt  }
0x5e: {  	_ =	shalt  }
0x5f: {  	_ =	shalt  }
0x60: {  	_ =	shalt  }
0x61: {  	_ =	shalt  }
0x62: {  	_ =	shalt  }
0x63: {  	_ =	shalt  }
0x64: {  	_ =	shalt  }
0x65: {  	_ =	shalt  }
0x66: {  	_ =	shalt  }
0x67: {  	_ =	shalt  }
0x68: {  	_ =	shalt  }
0x69: {  	_ =	shalt  }
0x6a: {  	_ =	shalt  }
0x6b: {  	_ =	shalt  }
0x6c: {  	_ =	shalt  }
0x6d: {  	_ =	shalt  }
0x6e: {  	_ =	shalt  }
0x6f: {  	_ =	shalt  }
0x70: {  	_ =	shalt  }
0x71: {  	_ =	shalt  }
0x72: {  	_ =	shalt  }
0x73: {  	_ =	shalt  }
0x74: {  	_ =	shalt  }
0x75: {  	_ =	shalt  }
0x76: {  	_ =	shalt  }
0x77: {  	_ =	shalt  }
0x78: {  	_ =	shalt  }
0x79: {  	_ =	shalt  }
0x7a: {  	_ =	shalt  }
0x7b: {  	_ =	shalt  }
0x7c: {  	_ =	shalt  }
0x7d: {  	_ =	shalt  }
0x7e: {  	_ =	shalt  }
0x7f: {  	_ =	shalt  }
0x80: {  	_ =	shalt  }
0x81: {  	_ =	shalt  }
0x82: {  	_ =	shalt  }
0x83: {  	_ =	shalt  }
0x84: {  	_ =	shalt  }
0x85: {  	_ =	shalt  }
0x86: {  	_ =	shalt  }
0x87: {  	_ =	shalt  }
.Lfunc_end0:
.L_simem_size_0:
called_computation_lowered:
.L_overlay_start_0:
0x88: {  	s2 =	sld [smem:$0x3FD9]  }
0x89: {  	s3 =	sld [smem:$0x3FFE];
	_ =	sdelay $0x1  }
0x8a: {  	s1 =	srdreg.scid  }
0x8b: {  	s0 =	sand.u32 $0x1, s1  }
0x8c: {  	s17 =	sshll.u32 s0, $0xA;
	s2 =	sadd.s32 s3, s2  }
0x8d: {  	s2 =	sadd.s32 s2, s17  }
0x8e: {  	[smem:$0x3FC5] =	sst s2  }
0x8f: {  	_ = 	snop  }
0x90: {  	s2 =	sld [smem:$0x3FC8]  }
0x91: {  	s18 =	sld [smem:$0x3FD0];
	(tm) =	ssettm $0x1  }
0x92: {  	s4 =	sld [smem:$0x3FFB];
	_ =	sdelay $0x3  }
0x93: {  	_ =	strace s4  }
0x94: {  	s4 =	sld [smem:$0x3FFC];
	_ =	sdelay $0x3  }
0x95: {  	_ =	strace s4  }
0x96: {  	s4 =	sld [smem:$0x3FFD];
	_ =	sdelay $0x3  }
0x97: {  	_ =	strace s4  }
0x98: {  	_ =	strace $0x8FFFFFFF  }
0x99: {  	s19 =	sld [smem:$0x3FDB];
	_ =	sdelay $0x1  }
0x9a: {  	s5 =	simm.s32 $_scs_section_size  }
0x9b: {  	s6 =	simm.s32 $_size__tile_overlayer_lowered;
	s7 =	simm.s32 $_tile_overlayer_lowered  }
0x9c: {  	s22 =	simm.s32 $0x1BFF;
	s21 =	sshll.u32 s7, $0x1;
	s4 =	sadd.s32 s5, s19  }
0x9d: {  	s8 =	simm.s32 $0x0;
	s20 =	sshll.u32 s6, $0x1;
	s6 =	sadd.s32 s21, s4  }
0x9e: {  	[timem:s8], [sflag:s22] =	dma.local [hbm:s6], s20  }
0x9f: {  	_ =	swait.ge [sflag:s22], s20  }
0xa0: {  	s5 =	ssub.s32 $0x0, s20;
	[sflag:s22] =	ssyncset.done $0x0  }
0xa1: {  	[sflag:s22] =	ssyncadd.s32 s5;
	_ =	sdelay $0x1  }
0xa2: {  	s23 =	simm.s32 $0x1B8B  }
0xa3: {  	_ =	swait.ge [sflag:s23], $0x1  }
0xa4: {  	[sflag:s23] =	ssyncset.done $0x0  }
0xa5: {  	s25 =	simm.s32 $0x1B8E;
	s24 =	sld [smem:$0x3FFE];
	[sflag:s23] =	ssyncadd.s32 $0xFFFFFFFF  }
0xa6: {  	s26 =	simm.s32 $execute0_lowered;
	[smem:$0x3FD2] =	sst s25  }
0xa7: {  	s6 =	sshll.u32 s26, $0x1;
	_ =	strace $0x80000046;
	[dreg:$0x1] =	wrdreg $0xFFFFFFFF  }
0xa8: {  	s28 =	simm.s32 $_size_execute0_lowered;
	s4 =	sadd.s32 s4, s6;
	[dreg:$0x0] =	wrdreg $0x0  }
0xa9: {  	s6 =	sshll.u32 s28, $0x1;
	[dreg:$0x2] =	wrdreg s4  }
0xaa: {  	[dreg:$0x3] =	wrdreg s6  }
0xab: {  	[dreg:$0x4] =	wrdreg $0xC0  }
0xac: {  	_ =	task [dreg:s8], $0x5FFFF  }
0xad: {  	[dreg:$0x1] =	wrdreg $0xFFFFFFFF  }
0xae: {  	[dreg:$0x0] =	wrdreg $0x60  }
0xaf: {  	[dreg:$0x2] =	wrdreg s24  }
0xb0: {  	[dreg:$0x3] =	wrdreg s2  }
0xb1: {  	[dreg:$0x4] =	wrdreg s18  }
0xb2: {  	[dreg:$0x5] =	wrdreg $0x9  }
0xb3: {  	_ =	task.clear_ibuf [dreg:s8], $0x6FFFF;
	_ =	strace $0x90000046  }
0xb4: {  	s29 =	simm.s32 $0x9;
	_ =	strace $0x80000048  }
0xb5: {  	_ =	swait.ge [sflag:s29], $0x1  }
0xb6: {  	[sflag:s29] =	ssyncadd.s32 $0xFFFFFFFF  }
0xb7: {  	_ =	strace $0x90000048  }
0xb8: {  	_ =	sfence  }
0xb9: {  	s30 =	sld [smem:$0x0];
	_ =	sdelay $0x2  }
0xba: {  	s31 =	sshll.u32 s1, $0xD;
	s1 =	sshrl.u32 s1, $0x2  }
0xbb: {  	s3 =	sand.u32 $0x4000, s31;
	s1 =	sadd.s32 s1, s30  }
0xbc: {  	s0 =	sor.u32 s3, s0;
	s1 =	sshll.u32 s1, $0x11  }
0xbd: {  	s0 =	sor.u32 s1, s0  }
0xbe: {  	s0 =	sadd.s32 $0x8F2B, s0  }
0xbf: {  	[sflag:s0] =	ssyncadd.remote.s32 $0x1  }
0xc0: {  	_ =	sfence.sel $0xFFFF  }
0xc1: {  	[dreg:$0x0] =	wrdreg $0xFFFFFFFF;
	(pc) =	sbr.abs _section_cstart, $3  }
0xc2: {  	[dreg:$0x1] =	wrdreg $0xFFFFFFFF  }
0xc3: {  	_ =	task.clear_ibuf [dreg:s8], $0x2FFFF;
	_ =	strace $0x9FFFFFFF  }
0xc4: {  	(tm) =	ssettm $0x7FFFFFFF  }
0xc5: {  	_ =	shalt  }
tec
execute0_lowered:
.L_overlay_start_1:
0x0: {  	(tag) =	ssettag $0x1  }
0x1: {  	s4 =	rddreg [dreg:$0x0]  }
0x2: {  	s7 =	rddreg [dreg:$0x1]  }
0x3: {  	s9 =	rddreg [dreg:$0x2]  }
0x4: {  	s0 =	rddreg [dreg:$0x3];
	s2 =	simm.s32 $0x0  }
0x5: {  	s3 =	srdreg.scid;
	s1 =	stileid.u32;
	s15 =	simm.s32 $0x2800  }
0x6: {  	s16 =	simm.s32 $0x1;
	s17 =	simm.s32 $0xC600;
	s18 =	simm.s32 $0x2  }
0x7: {  	s19 =	simm.s32 $0x0;
	[smem:$0x7FF] =	sst s2;
	s5 =	sand.u32 $0x1, s3  }
0x8: {  	s6 =	sshll.u32 s1, $0x1;
	s3 =	sadd.s32 $0x600, s4;
	s4 =	sadd.s32 $0x27E00, s4  }
0x9: {  	s14 =	sadd.s32 $0x10, s7;
	_ =	strace $0x80000047;
	s11 =	sor.u32 s5, s6  }
0xa: {  	s8 =	ssub.s32 $0x2, s5;
	s5 =	simm.s32 $0x50;
	s13 =	smul.u32 $0x500, s11  }
0xb: {  	s31 =	sshrl.u32 s8, $0x1;
	p0 =	seq.s32 s11, $0x1F;
	s10 =	smul.u32 $0x280, s11  }
0xc: {  	s12 =	ssub.s32 s8, s31;
	s5 =	simm.s32 @!p0 $0x140;
	p0 =	sne.s32 s11, $0x1F  }
0xd: {  	s11 =	simm.s32 $0x17800;
	s6 =	sadd.s32 s7, s13;
	s7 =	sadd.s32 $0x9B00, s7  }
0xe: {  	s8 =	sadd.s32 s9, s10;
	s9 =	sadd.s32 $0x4D80, s9;
	s10 =	smax.u32 s12, $0x1  }
0xf: {  	s12 =	simm.s32 $0x3;
	s13 =	sadd.s32 @p0 s13, s14;
	s14 =	sadd.s32 @!p0 $0x9B00, s14  }
.LBB2_1:
0x10: {  	[tilespmem:s11], [sflag:$0x3] =	stream.linear.gather [hbm4b:s4+s2], $0x2780, $0x38;
	[tilespmem:$0x19F80] =	vst v63  }
0x11: {  	_ =	swait.ge [sflag:s12], $0x2780  }
0x12: {  	s20 =	simm.s32 @p0 $0x80;
	[sflag:s12] =	ssyncset.done $0x0  }
0x13: {  	s21 =	simm.s32 @p0 $0x100;
	s22 =	simm.s32 @p0 $0x0;
	[sflag:s12] =	ssyncadd.s32 $0xFFFFD880  }
0x14: {  	[tilespmem:s22], [sflag:$0x3] =	stream.strided.gather @p0 [hbm4b:s6+s20], $0x1400, s21, s20, $0x38;
	[tilespmem:$0x19F80] =	vst v63  }
0x15: {  	s22 =	simm.s32 @p0 $0x3  }
0x16: {  	_ =	swait.ge @p0 [sflag:s22], $0x1400  }
0x17: {  	[sflag:s22] =	ssyncset.done @p0 $0x0  }
0x18: {  	s23 =	simm.s32 @p0 $0x1400;
	[sflag:s22] =	ssyncadd.s32 @p0 $0xFFFFEC00  }
0x19: {  	[tilespmem:s23], [sflag:$0x3] =	stream.strided.gather @p0 [hbm4b:s13+s20], $0x1400, s21, s20, $0x38;
	[tilespmem:$0x19F80] =	vst v63  }
0x1a: {  	_ =	swait.ge @p0 [sflag:s22], $0x1400  }
0x1b: {  	s20 =	simm.s32 @!p0 $0x80;
	[sflag:s22] =	ssyncset.done @p0 $0x0  }
0x1c: {  	s21 =	simm.s32 @!p0 $0x100;
	[sflag:s22] =	ssyncadd.s32 @p0 $0xFFFFEC00;
	s22 =	simm.s32 @!p0 $0x0  }
0x1d: {  	[tilespmem:s22], [sflag:$0x3] =	stream.strided.gather @!p0 [hbm4b:s7+s20], $0x500, s21, s20, $0x38;
	[tilespmem:$0x19F80] =	vst v63  }
0x1e: {  	s22 =	simm.s32 @!p0 $0x3  }
0x1f: {  	_ =	swait.ge @!p0 [sflag:s22], $0x500  }
0x20: {  	[sflag:s22] =	ssyncset.done @!p0 $0x0  }
0x21: {  	s23 =	simm.s32 @!p0 $0x1400;
	[sflag:s22] =	ssyncadd.s32 @!p0 $0xFFFFFB00  }
0x22: {  	[tilespmem:s23], [sflag:$0x3] =	stream.strided.gather @!p0 [hbm4b:s14+s20], $0x500, s21, s20, $0x38;
	[tilespmem:$0x19F80] =	vst v63  }
0x23: {  	_ =	swait.ge @!p0 [sflag:s22], $0x500  }
0x24: {  	[sflag:s22] =	ssyncset.done @!p0 $0x0  }
0x25: {  	s31 =	simm.s32 $0x20;
	[sflag:s22] =	ssyncadd.s32 @!p0 $0xFFFFFB00  }
0x26: {  	s30 =	simm.s32 $0x1420;
	v0 =	vld [tilespmem:s31+$0x10]  }
0x27: {  	v1 =	vld [tilespmem:s30+$0x10]  }
0x28: {  	v2 =	vld [tilespmem:s30+$0xFFFFFFE0]  }
0x29: {  	v3 =	vld [tilespmem:s31+$0xFFFFFFF0]  }
0x2a: {  	v4 =	vld [tilespmem:s30+$0xFFFFFFF0]  }
0x2b: {  	v5 =	vld [tilespmem:s31+$0x0]  }
0x2c: {  	v6 =	vld [tilespmem:s30+$0x0]  }
0x2d: {  	v7 =	vld [tilespmem:s31+$0xFFFFFFE0]  }
0x2e: {  	v8 =	vld.idx.msk [tilespmem:v0+s11+$0x0], $0xffff  }
0x2f: {  	v9 =	vld.idx.msk [tilespmem:v1+s11+$0x0], $0xffff  }
0x30: {  	p2 =	sgt.u32 s5, $0x4;
	v0 =	vld.idx.msk [tilespmem:v2+s11+$0x0], $0xffff  }
.Ltmp0:
0x31: {  	v2 =	vld.idx.msk [tilespmem:v3+s11+$0x0], $0xffff;
	(pc) =	sbr.rel @!p2 .LBB2_2-.Ltmp0, $4  }
0x32: {  	v3 =	vld.idx.msk [tilespmem:v4+s11+$0x0], $0xffff  }
0x33: {  	v1 =	vld.idx.msk [tilespmem:v5+s11+$0x0], $0xffff  }
0x34: {  	v4 =	vld.idx.msk [tilespmem:v6+s11+$0x0], $0xffff  }
0x35: {  	p1 =	por $0x0, $0x0;
	s20 =	simm.s32 $0x16420;
	s22 =	simm.s32 $0x60;
	v5 =	vld.idx.msk [tilespmem:v7+s11+$0x0], $0xffff;
	v6 =	vadd.f32 v9, v8  }
0x36: {  	v7 =	vld [tilespmem:s22+$0x10]  }
0x37: {  	s21 =	simm.s32 $0x1460;
	v10 =	vld [tilespmem:s22+$0xFFFFFFF0]  }
0x38: {  	v8 =	vld [tilespmem:s21+$0x10]  }
0x39: {  	v12 =	vld [tilespmem:s22+$0x0]  }
0x3a: {  	v14 =	vld [tilespmem:s22+$0xFFFFFFE0]  }
0x3b: {  	v11 =	vld [tilespmem:s21+$0xFFFFFFF0]  }
0x3c: {  	v9 =	vld [tilespmem:s21+$0xFFFFFFE0]  }
0x3d: {  	v13 =	vld [tilespmem:s21+$0x0]  }
0x3e: {  	v7 =	vld.idx.msk [tilespmem:v7+s11+$0x0], $0xffff  }
0x3f: {  	v15 =	vadd.f32 v3, v2;
	v2 =	vld.idx.msk [tilespmem:v10+s11+$0x0], $0xffff  }
0x40: {  	p2 =	sgt.u32 s5, $0x8;
	v5 =	vadd.f32 v0, v5;
	v8 =	vld.idx.msk [tilespmem:v8+s11+$0x0], $0xffff  }
.Ltmp1:
0x41: {  	v4 =	vadd.f32 v4, v1;
	v1 =	vld.idx.msk [tilespmem:v12+s11+$0x0], $0xffff;
	(pc) =	sbr.rel @!p2 .LBB2_4-.Ltmp1, $4  }
0x42: {  	[tilespmem:s20+$0xFFFFFFE0] =	vst v5;
	v5 =	vld.idx.msk [tilespmem:v14+s11+$0x0], $0xffff  }
0x43: {  	[tilespmem:s20+$0x10] =	vst v6;
	v3 =	vld.idx.msk [tilespmem:v11+s11+$0x0], $0xffff  }
0x44: {  	s22 =	simm.s32 $0x8;
	[tilespmem:s20+$0xFFFFFFF0] =	vst v15;
	v0 =	vld.idx.msk [tilespmem:v9+s11+$0x0], $0xffff  }
0x45: {  	s24 =	simm.s32 $0xA0;
	p1 =	por $0x1, $0x1;
	s23 =	simm.s32 $0x16420;
	[tilespmem:s20+$0x0] =	vst v4;
	v4 =	vld.idx.msk [tilespmem:v13+s11+$0x0], $0xffff;
	v6 =	vadd.f32 v8, v7  }
.LBB2_5:
0x46: {  	v7 =	vld [tilespmem:s24+$0x10];
	s21 =	sadd.s32 $0x40, s21;
	s23 =	sadd.s32 $0x40, s23  }
0x47: {  	s22 =	sadd.s32 $0x4, s22;
	v8 =	vld [tilespmem:s21+$0x10];
	[tilespmem:s23+$0x10] =	vst v6  }
0x48: {  	p2 =	slt.u32 s22, s5;
	v2 =	vadd.f32 v3, v2;
	v6 =	vld [tilespmem:s21+$0xFFFFFFE0]  }
0x49: {  	v3 =	vld [tilespmem:s24+$0xFFFFFFF0]  }
0x4a: {  	v1 =	vadd.f32 v4, v1;
	v9 =	vld [tilespmem:s21+$0xFFFFFFF0];
	[tilespmem:s23+$0xFFFFFFF0] =	vst v2  }
0x4b: {  	v0 =	vadd.f32 v0, v5;
	v4 =	vld [tilespmem:s24+$0x0]  }
0x4c: {  	v5 =	vld [tilespmem:s21+$0x0];
	[tilespmem:s23+$0x0] =	vst v1  }
0x4d: {  	v10 =	vld [tilespmem:s24+$0xFFFFFFE0];
	[tilespmem:s23+$0xFFFFFFE0] =	vst v0  }
0x4e: {  	v7 =	vld.idx.msk [tilespmem:v7+s11+$0x0], $0xffff  }
0x4f: {  	v8 =	vld.idx.msk [tilespmem:v8+s11+$0x0], $0xffff  }
0x50: {  	v0 =	vld.idx.msk [tilespmem:v6+s11+$0x0], $0xffff  }
.Ltmp2:
0x51: {  	v2 =	vld.idx.msk [tilespmem:v3+s11+$0x0], $0xffff;
	(pc) =	sbr.rel @p2 .LBB2_5-.Ltmp2, $4  }
0x52: {  	v3 =	vld.idx.msk [tilespmem:v9+s11+$0x0], $0xffff  }
0x53: {  	v1 =	vld.idx.msk [tilespmem:v4+s11+$0x0], $0xffff  }
0x54: {  	v4 =	vld.idx.msk [tilespmem:v5+s11+$0x0], $0xffff  }
0x55: {  	s24 =	sadd.s32 $0x40, s24;
	v6 =	vadd.f32 v8, v7;
	v5 =	vld.idx.msk [tilespmem:v10+s11+$0x0], $0xffff  }
.LBB2_6:
0x56: {  	_ = 	snop  }
0x57: {  	s21 =	sadd.s32 @p1 $0x40, s23  }
0x58: {  	s20 =	smov.u32 @p1 s21;
	v2 =	vadd.f32 v3, v2  }
0x59: {  	[tilespmem:s20+$0x10] =	vst v6;
	v1 =	vadd.f32 v4, v1  }
0x5a: {  	[tilespmem:s20+$0xFFFFFFF0] =	vst v2;
	v0 =	vadd.f32 v0, v5  }
0x5b: {  	[tilespmem:s20+$0x0] =	vst v1  }
0x5c: {  	s21 =	simm.s32 $0x0;
	[tilespmem:s20+$0xFFFFFFE0] =	vst v0;
	s20 =	simm.s32 $0x0  }
0x5d: {  	[tilespmem:s15], [sflag:$0x1] =	stream.linear.gather [hbm4b:s3+s20], $0x9E00, $0x38;
	[tilespmem:$0x19F80] =	vst v63  }
.LBB2_7:
0x5e: {  	s22 =	smul.u32 $0x13C00, s21;
	_ =	sdelay $0x1  }
0x5f: {  	_ =	swait.ge [sflag:s16], $0x9E00;
	s23 =	sshrl.u32 s22, $0x3  }
0x60: {  	[sflag:s16] =	ssyncset.done $0x0;
	s23 =	sadd.s32 s3, s23  }
0x61: {  	s25 =	simm.s32 $0x20;
	[sflag:s16] =	ssyncadd.s32 $0xFFFF6200;
	s23 =	sadd.s32 $0x13C0, s23  }
0x62: {  	[tilespmem:s17], [sflag:$0x2] =	stream.linear.gather [hbm4b:s23+s20], $0x9E00, $0x38;
	[tilespmem:$0x19F80] =	vst v63  }
0x63: {  	s24 =	simm.s32 $0x1420;
	v0 =	vld [tilespmem:s25+$0x10]  }
0x64: {  	v1 =	vld [tilespmem:s24+$0x10]  }
0x65: {  	v3 =	vld [tilespmem:s25+$0xFFFFFFF0]  }
0x66: {  	v5 =	vld [tilespmem:s25+$0x0]  }
0x67: {  	v7 =	vld [tilespmem:s24+$0x0]  }
0x68: {  	v9 =	vld [tilespmem:s25+$0xFFFFFFE0];
	_ =	sdelay $0x1  }
0x69: {  	v6 =	vshll.u32 v0, $0x2  }
0x6a: {  	v0 =	vand.u32 $0x7F, v0;
	v8 =	vshll.u32 v1, $0x2;
	v1 =	vand.u32 $0x7F, v1  }
0x6b: {  	v2 =	vld [tilespmem:s24+$0xFFFFFFE0];
	v10 =	vshll.u32 v3, $0x2;
	v11 =	vshll.u32 v5, $0x2;
	v12 =	vshll.u32 v7, $0x2  }
0x6c: {  	v14 =	vshll.u32 v9, $0x2;
	v9 =	vand.u32 $0x7F, v9;
	v6 =	vand.u32 $0xFFFFFE00, v6  }
0x6d: {  	v4 =	vld [tilespmem:s24+$0xFFFFFFF0];
	v3 =	vand.u32 $0x7F, v3;
	v14 =	vand.u32 $0xFFFFFE00, v14;
	v0 =	vor.u32 v0, v6  }
0x6e: {  	v5 =	vand.u32 $0x7F, v5;
	v11 =	vand.u32 $0xFFFFFE00, v11;
	v9 =	vor.u32 v9, v14  }
0x6f: {  	v7 =	vand.u32 $0x7F, v7;
	v12 =	vand.u32 $0xFFFFFE00, v12;
	v5 =	vor.u32 v5, v11  }
0x70: {  	s23 =	simm.s32 $0x16420;
	v6 =	vand.u32 $0xFFFFFE00, v8;
	v8 =	vshll.u32 v2, $0x2;
	v7 =	vor.u32 v7, v12  }
0x71: {  	v45 =	vld [tilespmem:s23+$0x10];
	v2 =	vand.u32 $0x7F, v2;
	v1 =	vor.u32 v1, v6;
	v6 =	vand.u32 $0xFFFFFE00, v8  }
0x72: {  	v8 =	vand.u32 $0xFFFFFE00, v10;
	v10 =	vshll.u32 v4, $0x2;
	v13 =	vor.u32 $0x80, v0;
	v16 =	vld.idx.msk [tilespmem:v0+s15+$0x0], $0xffff  }
0x73: {  	v4 =	vand.u32 $0x7F, v4;
	v46 =	vor.u32 $0x80, v9;
	v23 =	vor.u32 $0x80, v5;
	v50 =	vld.idx.msk [tilespmem:v9+s15+$0x0], $0xffff  }
0x74: {  	v49 =	vor.u32 $0x80, v7;
	v24 =	vor.u32 $0x100, v9;
	v15 =	vor.u32 $0x80, v1;
	v57 =	vld.idx.msk [tilespmem:v5+s15+$0x0], $0xffff  }
0x75: {  	v54 =	vor.u32 $0x100, v5;
	v10 =	vand.u32 $0xFFFFFE00, v10;
	v2 =	vor.u32 v2, v6;
	v33 =	vld.idx.msk [tilespmem:v7+s15+$0x0], $0xffff  }
0x76: {  	v55 =	vor.u32 $0x100, v7;
	v6 =	vor.u32 $0x100, v0;
	v4 =	vor.u32 v4, v10;
	v17 =	vld.idx.msk [tilespmem:v1+s15+$0x0], $0xffff  }
0x77: {  	v3 =	vor.u32 v3, v8;
	v8 =	vor.u32 $0x100, v1;
	v47 =	vor.u32 $0x80, v2;
	v10 =	vld.idx.msk [tilespmem:v13+s15+$0x0], $0xffff  }
0x78: {  	v48 =	vor.u32 $0x80, v3;
	v51 =	vor.u32 $0x100, v2;
	v28 =	vor.u32 $0x100, v3;
	v13 =	vld.idx.msk [tilespmem:v46+s15+$0x0], $0xffff  }
0x79: {  	v18 =	vor.u32 $0x80, v4;
	v53 =	vor.u32 $0x100, v4;
	v0 =	vor.u32 $0x180, v0;
	v11 =	vld.idx.msk [tilespmem:v15+s15+$0x0], $0xffff  }
0x7a: {  	v9 =	vor.u32 $0x180, v9;
	v5 =	vor.u32 $0x180, v5;
	v1 =	vor.u32 $0x180, v1;
	v27 =	vld.idx.msk [tilespmem:v2+s15+$0x0], $0xffff  }
0x7b: {  	v2 =	vor.u32 $0x180, v2;
	v31 =	vld.idx.msk [tilespmem:v4+s15+$0x0], $0xffff;
	v4 =	vor.u32 $0x180, v4;
	v20 =	vunpack.i.l.bf16.f32 v16  }
0x7c: {  	v6 =	vld.idx.msk [tilespmem:v6+s15+$0x0], $0xffff;
	v16 =	vunpack.i.u.bf16.f32 v16;
	v32 =	vunpack.i.l.bf16.f32 v50;
	v59 =	vunpack.i.u.bf16.f32 v50  }
0x7d: {  	v8 =	vld.idx.msk [tilespmem:v8+s15+$0x0], $0xffff;
	v63 =	vunpack.i.l.bf16.f32 v57;
	v35 =	vunpack.i.l.bf16.f32 v33;
	v37 =	vunpack.i.u.bf16.f32 v57  }
0x7e: {  	v19 =	vld [tilespmem:s23+$0xFFFFFFE0];
	v38 =	vunpack.i.u.bf16.f32 v33;
	v50 =	vor.u32 $0x180, v7;
	v21 =	vunpack.i.l.bf16.f32 v17  }
0x7f: {  	v22 =	vld [tilespmem:s23+$0xFFFFFFF0];
	v17 =	vunpack.i.u.bf16.f32 v17;
	v25 =	vunpack.i.l.bf16.f32 v10;
	v10 =	vunpack.i.u.bf16.f32 v10  }
0x80: {  	v23 =	vld.idx.msk [tilespmem:v23+s15+$0x0], $0xffff;
	v40 =	vmul.f32 v38, v37;
	v41 =	vunpack.i.l.bf16.f32 v13;
	v13 =	vunpack.i.u.bf16.f32 v13  }
0x81: {  	v12 =	vld.idx.msk [tilespmem:v47+s15+$0x0], $0xffff;
	v20 =	vmul.f32 v21, v20;
	v16 =	vmul.f32 v17, v16;
	v26 =	vunpack.i.l.bf16.f32 v11  }
0x82: {  	v15 =	vld.idx.msk [tilespmem:v48+s15+$0x0], $0xffff;
	v11 =	vunpack.i.u.bf16.f32 v11;
	v29 =	vunpack.i.l.bf16.f32 v6;
	v30 =	vunpack.i.l.bf16.f32 v8  }
0x83: {  	v24 =	vld.idx.msk [tilespmem:v24+s15+$0x0], $0xffff;
	v58 =	vunpack.i.l.bf16.f32 v27;
	v6 =	vunpack.i.u.bf16.f32 v6;
	v14 =	vadd.f32 v20, v45  }
0x84: {  	v47 =	vld.idx.msk [tilespmem:v28+s15+$0x0], $0xffff;
	v8 =	vunpack.i.u.bf16.f32 v8;
	v52 =	vmul.f32 v26, v25;
	v10 =	vmul.f32 v11, v10  }
0x85: {  	v0 =	vld.idx.msk [tilespmem:v0+s15+$0x0], $0xffff;
	v56 =	vmul.f32 v30, v29;
	v30 =	vmul.f32 v58, v32;
	v14 =	vadd.f32 v14, v16  }
0x86: {  	v1 =	vld.idx.msk [tilespmem:v1+s15+$0x0], $0xffff;
	v6 =	vmul.f32 v8, v6;
	v62 =	vunpack.i.l.bf16.f32 v31;
	v36 =	vunpack.i.u.bf16.f32 v31  }
0x87: {  	v48 =	vld.idx.msk [tilespmem:v53+s15+$0x0], $0xffff;
	v42 =	vunpack.i.l.bf16.f32 v12;
	v43 =	vunpack.i.l.bf16.f32 v15;
	v14 =	vadd.f32 v52, v14  }
0x88: {  	v11 =	vld.idx.msk [tilespmem:v3+s15+$0x0], $0xffff;
	v12 =	vunpack.i.u.bf16.f32 v12;
	v15 =	vunpack.i.u.bf16.f32 v15;
	v3 =	vor.u32 $0x180, v3  }
0x89: {  	v57 =	vld.idx.msk [tilespmem:v2+s15+$0x0], $0xffff;
	v53 =	vunpack.i.l.bf16.f32 v47;
	v45 =	vunpack.i.l.bf16.f32 v23;
	v10 =	vadd.f32 v14, v10  }
0x8a: {  	v8 =	vld [tilespmem:s23+$0x0];
	v23 =	vunpack.i.u.bf16.f32 v23;
	v60 =	vunpack.i.l.bf16.f32 v0;
	v0 =	vunpack.i.u.bf16.f32 v0  }
0x8b: {  	v20 =	vld.idx.msk [tilespmem:v51+s15+$0x0], $0xffff;
	v61 =	vunpack.i.l.bf16.f32 v1;
	v1 =	vunpack.i.u.bf16.f32 v1;
	v10 =	vadd.f32 v56, v10  }
0x8c: {  	v51 =	vunpack.i.l.bf16.f32 v24;
	v0 =	vmul.f32 v1, v0;
	v1 =	vld.idx.msk [tilespmem:v18+s15+$0x0], $0xffff;
	v18 =	vmul.f32 v35, v63  }
0x8d: {  	v34 =	vunpack.i.l.bf16.f32 v11;
	v6 =	vadd.f32 v10, v6;
	v10 =	vmul.f32 v61, v60  }
0x8e: {  	v19 =	vadd.f32 v30, v19;
	v16 =	vld.idx.msk [tilespmem:v55+s15+$0x0], $0xffff;
	v11 =	vunpack.i.u.bf16.f32 v11;
	v17 =	vmul.f32 v62, v34  }
0x8f: {  	v11 =	vmul.f32 v36, v11;
	v8 =	vadd.f32 v18, v8;
	v6 =	vadd.f32 v10, v6  }
0x90: {  	v18 =	vmul.f32 v42, v41;
	v52 =	vunpack.i.l.bf16.f32 v20;
	v39 =	vadd.f32 v17, v22  }
0x91: {  	v62 =	vunpack.i.l.bf16.f32 v57;
	v8 =	vadd.f32 v8, v40;
	v6 =	vadd.f32 v6, v0;
	v0 =	vld.idx.msk [tilespmem:v49+s15+$0x0], $0xffff  }
0x92: {  	v17 =	vunpack.i.u.bf16.f32 v47;
	v44 =	vunpack.i.l.bf16.f32 v1;
	v10 =	vunpack.i.u.bf16.f32 v27  }
0x93: {  	v1 =	vunpack.i.u.bf16.f32 v1;
	v56 =	vunpack.i.l.bf16.f32 v16;
	v10 =	vmul.f32 v10, v59;
	v49 =	vld.idx.msk [tilespmem:v54+s15+$0x0], $0xffff  }
0x94: {  	v16 =	vunpack.i.u.bf16.f32 v16;
	v11 =	vadd.f32 v39, v11;
	v1 =	vmul.f32 v1, v15  }
0x95: {  	v60 =	vunpack.i.u.bf16.f32 v20;
	v54 =	vunpack.i.l.bf16.f32 v48;
	v10 =	vadd.f32 v19, v10  }
0x96: {  	v19 =	vmul.f32 v44, v43;
	v58 =	vmul.f32 v54, v53;
	v46 =	vunpack.i.l.bf16.f32 v0  }
0x97: {  	v7 =	vadd.f32 v18, v10;
	v10 =	vmul.f32 v12, v13;
	v14 =	vmul.f32 v46, v45  }
0x98: {  	v9 =	vld.idx.msk [tilespmem:v9+s15+$0x0], $0xffff;
	v11 =	vadd.f32 v19, v11;
	v0 =	vunpack.i.u.bf16.f32 v0;
	v55 =	vunpack.i.l.bf16.f32 v49  }
0x99: {  	v2 =	vld.idx.msk [tilespmem:v5+s15+$0x0], $0xffff;
	v7 =	vadd.f32 v7, v10;
	v0 =	vmul.f32 v0, v23;
	v8 =	vadd.f32 v14, v8  }
0x9a: {  	v10 =	vmul.f32 v52, v51;
	v11 =	vadd.f32 v11, v1;
	v1 =	vld.idx.msk [tilespmem:v4+s15+$0x0], $0xffff;
	v4 =	vunpack.i.u.bf16.f32 v48  }
0x9b: {  	v61 =	vunpack.i.u.bf16.f32 v49;
	v8 =	vadd.f32 v8, v0;
	v0 =	vld.idx.msk [tilespmem:v3+s15+$0x0], $0xffff;
	v3 =	vunpack.i.u.bf16.f32 v24  }
0x9c: {  	p1 =	sgt.u32 s5, $0x4;
	[tilespmem:s23+$0x10] =	vst v6;
	v59 =	vmul.f32 v56, v55;
	v5 =	vadd.f32 v10, v7;
	v3 =	vmul.f32 v60, v3  }
.Ltmp3:
0x9d: {  	v6 =	vld.idx.msk [tilespmem:v50+s15+$0x0], $0xffff;
	v4 =	vmul.f32 v4, v17;
	v7 =	vadd.f32 v58, v11;
	v10 =	vmul.f32 v16, v61;
	(pc) =	sbr.rel @!p1 .LBB2_9-.Ltmp3, $4  }
0x9e: {  	v11 =	vunpack.i.l.bf16.f32 v9;
	v8 =	vadd.f32 v59, v8;
	v3 =	vadd.f32 v5, v3  }
0x9f: {  	v5 =	vadd.f32 v7, v4;
	v7 =	vunpack.i.u.bf16.f32 v9;
	v9 =	vunpack.i.l.bf16.f32 v1  }
0xa0: {  	v4 =	vadd.f32 v8, v10;
	v8 =	vmul.f32 v62, v11;
	v63 =	vunpack.i.l.bf16.f32 v0  }
0xa1: {  	s26 =	simm.s32 $0x60;
	s25 =	simm.s32 $0x4;
	v10 =	vunpack.i.u.bf16.f32 v57;
	v11 =	vunpack.i.l.bf16.f32 v2;
	v9 =	vmul.f32 v9, v63  }
.LBB2_8:
0xa2: {  	v12 =	vld [tilespmem:s26+$0x10];
	v0 =	vunpack.i.u.bf16.f32 v0;
	v1 =	vunpack.i.u.bf16.f32 v1;
	v13 =	vunpack.i.l.bf16.f32 v6;
	s24 =	sadd.s32 $0x40, s24  }
0xa3: {  	s25 =	sadd.s32 $0x4, s25;
	v2 =	vunpack.i.u.bf16.f32 v2;
	v6 =	vunpack.i.u.bf16.f32 v6;
	v14 =	vld [tilespmem:s24+$0x10];
	v11 =	vmul.f32 v13, v11  }
0xa4: {  	v3 =	vadd.f32 v8, v3;
	v7 =	vmul.f32 v10, v7;
	p1 =	slt.u32 s25, s5;
	v5 =	vadd.f32 v9, v5;
	v13 =	vld [tilespmem:s24+$0xFFFFFFE0]  }
0xa5: {  	v0 =	vmul.f32 v1, v0;
	v2 =	vmul.f32 v6, v2;
	v8 =	vld [tilespmem:s26+$0xFFFFFFF0];
	v1 =	vadd.f32 v11, v4  }
0xa6: {  	v3 =	vadd.f32 v3, v7;
	v4 =	vld [tilespmem:s24+$0xFFFFFFF0]  }
0xa7: {  	v0 =	vadd.f32 v5, v0;
	v6 =	vld [tilespmem:s26+$0x0];
	v7 =	vshll.u32 v12, $0x2;
	v1 =	vadd.f32 v1, v2  }
0xa8: {  	v5 =	vand.u32 $0x7F, v12;
	v2 =	vld [tilespmem:s24+$0x0];
	v7 =	vand.u32 $0xFFFFFE00, v7;
	v9 =	vshll.u32 v14, $0x2;
	[tilespmem:s23+$0xFFFFFFE0] =	vst v3  }
0xa9: {  	v3 =	vld [tilespmem:s26+$0xFFFFFFE0];
	v7 =	vor.u32 v5, v7;
	v5 =	vand.u32 $0x7F, v14;
	v9 =	vand.u32 $0xFFFFFE00, v9;
	[tilespmem:s23+$0xFFFFFFF0] =	vst v0  }
0xaa: {  	v0 =	vshll.u32 v13, $0x2;
	v10 =	vshll.u32 v8, $0x2;
	v9 =	vor.u32 v5, v9;
	[tilespmem:s23+$0x0] =	vst v1  }
0xab: {  	v1 =	vand.u32 $0xFFFFFE00, v0;
	v5 =	vand.u32 $0xFFFFFE00, v10;
	v0 =	vshll.u32 v4, $0x2  }
0xac: {  	v10 =	vand.u32 $0x7F, v13;
	v11 =	vand.u32 $0xFFFFFE00, v0;
	v0 =	vshll.u32 v6, $0x2  }
0xad: {  	v13 =	vor.u32 $0x80, v7;
	v12 =	vand.u32 $0xFFFFFE00, v0;
	v0 =	vshll.u32 v2, $0x2  }
0xae: {  	v17 =	vor.u32 $0x80, v9;
	v14 =	vshll.u32 v3, $0x2;
	v15 =	vand.u32 $0xFFFFFE00, v0;
	v16 =	vld.idx.msk [tilespmem:v7+s15+$0x0], $0xffff  }
0xaf: {  	v8 =	vand.u32 $0x7F, v8;
	v0 =	vand.u32 $0x7F, v3;
	v3 =	vand.u32 $0xFFFFFE00, v14;
	v14 =	vld.idx.msk [tilespmem:v9+s15+$0x0], $0xffff  }
0xb0: {  	s23 =	sadd.s32 $0x40, s23;
	v4 =	vand.u32 $0x7F, v4;
	v6 =	vand.u32 $0x7F, v6;
	v18 =	vand.u32 $0x7F, v2  }
0xb1: {  	v19 =	vor.u32 $0x100, v7;
	v1 =	vor.u32 v10, v1;
	v0 =	vor.u32 v0, v3;
	v10 =	vld [tilespmem:s23+$0x10]  }
0xb2: {  	v2 =	vor.u32 v4, v11;
	v11 =	vor.u32 $0x100, v9;
	v3 =	vor.u32 v8, v5;
	v8 =	vld.idx.msk [tilespmem:v13+s15+$0x0], $0xffff  }
0xb3: {  	v4 =	vor.u32 v6, v12;
	v5 =	vor.u32 v18, v15;
	v13 =	vor.u32 $0x80, v0;
	v6 =	vld.idx.msk [tilespmem:v17+s15+$0x0], $0xffff  }
0xb4: {  	v15 =	vor.u32 $0x80, v1;
	v18 =	vor.u32 $0x80, v2;
	v17 =	vor.u32 $0x80, v3;
	v12 =	vld [tilespmem:s23+$0xFFFFFFE0]  }
0xb5: {  	v7 =	vor.u32 $0x180, v7;
	v21 =	vunpack.i.l.bf16.f32 v16;
	v22 =	vunpack.i.l.bf16.f32 v14;
	v20 =	vld [tilespmem:s23+$0xFFFFFFF0]  }
0xb6: {  	v23 =	vor.u32 $0x80, v4;
	v9 =	vor.u32 $0x180, v9;
	v21 =	vmul.f32 v22, v21;
	v19 =	vld.idx.msk [tilespmem:v19+s15+$0x0], $0xffff  }
0xb7: {  	v16 =	vunpack.i.u.bf16.f32 v16;
	v14 =	vunpack.i.u.bf16.f32 v14;
	v22 =	vor.u32 $0x80, v5;
	v11 =	vld.idx.msk [tilespmem:v11+s15+$0x0], $0xffff  }
0xb8: {  	v25 =	vor.u32 $0x100, v0;
	v14 =	vmul.f32 v14, v16;
	v10 =	vadd.f32 v21, v10;
	v24 =	vld.idx.msk [tilespmem:v0+s15+$0x0], $0xffff  }
0xb9: {  	v21 =	vor.u32 $0x100, v1;
	v26 =	vunpack.i.l.bf16.f32 v8;
	v27 =	vunpack.i.l.bf16.f32 v6;
	v16 =	vld.idx.msk [tilespmem:v1+s15+$0x0], $0xffff  }
0xba: {  	v28 =	vor.u32 $0x100, v3;
	v10 =	vadd.f32 v10, v14;
	v14 =	vmul.f32 v27, v26;
	v7 =	vld.idx.msk [tilespmem:v7+s15+$0x0], $0xffff  }
0xbb: {  	v8 =	vunpack.i.u.bf16.f32 v8;
	v6 =	vunpack.i.u.bf16.f32 v6;
	v26 =	vor.u32 $0x100, v2;
	v9 =	vld.idx.msk [tilespmem:v9+s15+$0x0], $0xffff  }
0xbc: {  	v29 =	vor.u32 $0x100, v4;
	v6 =	vmul.f32 v6, v8;
	v10 =	vadd.f32 v14, v10;
	v27 =	vld.idx.msk [tilespmem:v3+s15+$0x0], $0xffff  }
0xbd: {  	v14 =	vor.u32 $0x100, v5;
	v30 =	vunpack.i.l.bf16.f32 v19;
	v31 =	vunpack.i.l.bf16.f32 v11;
	v8 =	vld.idx.msk [tilespmem:v2+s15+$0x0], $0xffff  }
0xbe: {  	v32 =	vunpack.i.l.bf16.f32 v24;
	v6 =	vadd.f32 v10, v6;
	v10 =	vmul.f32 v31, v30;
	v33 =	vld.idx.msk [tilespmem:v4+s15+$0x0], $0xffff  }
0xbf: {  	v19 =	vunpack.i.u.bf16.f32 v19;
	v11 =	vunpack.i.u.bf16.f32 v11;
	v30 =	vunpack.i.l.bf16.f32 v16;
	v31 =	vld.idx.msk [tilespmem:v5+s15+$0x0], $0xffff  }
0xc0: {  	v30 =	vmul.f32 v30, v32;
	v6 =	vadd.f32 v10, v6;
	v10 =	vmul.f32 v11, v19;
	v32 =	vld [tilespmem:s23+$0x0]  }
0xc1: {  	v11 =	vunpack.i.u.bf16.f32 v24;
	v19 =	vunpack.i.l.bf16.f32 v7;
	v24 =	vunpack.i.l.bf16.f32 v9;
	v13 =	vld.idx.msk [tilespmem:v13+s15+$0x0], $0xffff  }
0xc2: {  	v34 =	vunpack.i.l.bf16.f32 v27;
	v6 =	vadd.f32 v6, v10;
	v10 =	vmul.f32 v24, v19;
	v15 =	vld.idx.msk [tilespmem:v15+s15+$0x0], $0xffff  }
0xc3: {  	v7 =	vunpack.i.u.bf16.f32 v7;
	v9 =	vunpack.i.u.bf16.f32 v9;
	v19 =	vunpack.i.l.bf16.f32 v8;
	v17 =	vld.idx.msk [tilespmem:v17+s15+$0x0], $0xffff  }
0xc4: {  	v7 =	vmul.f32 v9, v7;
	v24 =	vunpack.i.l.bf16.f32 v33;
	v6 =	vadd.f32 v10, v6;
	v18 =	vld.idx.msk [tilespmem:v18+s15+$0x0], $0xffff  }
0xc5: {  	v9 =	vunpack.i.u.bf16.f32 v16;
	v10 =	vmul.f32 v19, v34;
	v16 =	vunpack.i.l.bf16.f32 v31;
	v19 =	vld.idx.msk [tilespmem:v23+s15+$0x0], $0xffff  }
0xc6: {  	v23 =	vunpack.i.u.bf16.f32 v27;
	v16 =	vmul.f32 v16, v24;
	v6 =	vadd.f32 v6, v7;
	v22 =	vld.idx.msk [tilespmem:v22+s15+$0x0], $0xffff  }
0xc7: {  	v8 =	vunpack.i.u.bf16.f32 v8;
	v24 =	vunpack.i.u.bf16.f32 v33;
	v7 =	vld.idx.msk [tilespmem:v25+s15+$0x0], $0xffff;
	v25 =	vunpack.i.u.bf16.f32 v31  }
0xc8: {  	v12 =	vadd.f32 v30, v12;
	v9 =	vmul.f32 v9, v11;
	v10 =	vadd.f32 v10, v20;
	[tilespmem:s23+$0x10] =	vst v6  }
0xc9: {  	v8 =	vmul.f32 v8, v23;
	v11 =	vadd.f32 v16, v32;
	v16 =	vmul.f32 v25, v24;
	v6 =	vld.idx.msk [tilespmem:v21+s15+$0x0], $0xffff  }
0xca: {  	v20 =	vunpack.i.l.bf16.f32 v13;
	v23 =	vunpack.i.l.bf16.f32 v17;
	v21 =	vunpack.i.l.bf16.f32 v15;
	v24 =	vld.idx.msk [tilespmem:v28+s15+$0x0], $0xffff  }
0xcb: {  	v9 =	vadd.f32 v12, v9;
	v12 =	vunpack.i.l.bf16.f32 v18;
	v25 =	vld.idx.msk [tilespmem:v26+s15+$0x0], $0xffff;
	v26 =	vunpack.i.l.bf16.f32 v19  }
0xcc: {  	v8 =	vadd.f32 v10, v8;
	v10 =	vadd.f32 v11, v16;
	v11 =	vunpack.i.l.bf16.f32 v22;
	v16 =	vld.idx.msk [tilespmem:v29+s15+$0x0], $0xffff  }
0xcd: {  	v13 =	vunpack.i.u.bf16.f32 v13;
	v20 =	vmul.f32 v21, v20;
	v12 =	vmul.f32 v12, v23;
	v14 =	vld.idx.msk [tilespmem:v14+s15+$0x0], $0xffff  }
0xce: {  	v17 =	vunpack.i.u.bf16.f32 v17;
	v15 =	vunpack.i.u.bf16.f32 v15;
	v11 =	vmul.f32 v11, v26  }
0xcf: {  	v18 =	vunpack.i.u.bf16.f32 v18;
	v19 =	vunpack.i.u.bf16.f32 v19;
	v21 =	vunpack.i.u.bf16.f32 v22  }
0xd0: {  	v0 =	vor.u32 $0x180, v0;
	v1 =	vor.u32 $0x180, v1;
	v3 =	vor.u32 $0x180, v3  }
0xd1: {  	v2 =	vor.u32 $0x180, v2;
	v4 =	vor.u32 $0x180, v4;
	v5 =	vor.u32 $0x180, v5  }
0xd2: {  	v13 =	vmul.f32 v15, v13;
	v9 =	vadd.f32 v20, v9;
	v8 =	vadd.f32 v12, v8  }
0xd3: {  	v12 =	vmul.f32 v18, v17;
	v10 =	vadd.f32 v11, v10;
	v11 =	vmul.f32 v21, v19  }
0xd4: {  	v15 =	vunpack.i.l.bf16.f32 v7;
	v17 =	vunpack.i.l.bf16.f32 v6;
	v18 =	vunpack.i.l.bf16.f32 v24  }
0xd5: {  	v20 =	vunpack.i.l.bf16.f32 v16;
	v21 =	vunpack.i.l.bf16.f32 v14;
	v19 =	vld.idx.msk [tilespmem:v0+s15+$0x0], $0xffff;
	v0 =	vunpack.i.l.bf16.f32 v25  }
0xd6: {  	v9 =	vadd.f32 v9, v13;
	v8 =	vadd.f32 v8, v12;
	v13 =	vmul.f32 v17, v15;
	v15 =	vld.idx.msk [tilespmem:v1+s15+$0x0], $0xffff  }
0xd7: {  	v12 =	vmul.f32 v0, v18;
	v0 =	vld.idx.msk [tilespmem:v3+s15+$0x0], $0xffff;
	v3 =	vadd.f32 v10, v11;
	v10 =	vmul.f32 v21, v20  }
0xd8: {  	v7 =	vunpack.i.u.bf16.f32 v7;
	v6 =	vunpack.i.u.bf16.f32 v6;
	v11 =	vunpack.i.u.bf16.f32 v24;
	v1 =	vld.idx.msk [tilespmem:v2+s15+$0x0], $0xffff  }
0xd9: {  	v17 =	vunpack.i.u.bf16.f32 v25;
	v16 =	vunpack.i.u.bf16.f32 v16;
	v14 =	vunpack.i.u.bf16.f32 v14;
	v2 =	vld.idx.msk [tilespmem:v4+s15+$0x0], $0xffff  }
0xda: {  	v7 =	vmul.f32 v6, v7;
	v8 =	vadd.f32 v12, v8;
	v4 =	vadd.f32 v13, v9;
	v6 =	vld.idx.msk [tilespmem:v5+s15+$0x0], $0xffff  }
.Ltmp4:
0xdb: {  	v9 =	vadd.f32 v10, v3;
	v10 =	vmul.f32 v14, v16;
	v5 =	vmul.f32 v17, v11;
	(pc) =	sbr.rel @p1 .LBB2_8-.Ltmp4, $4  }
0xdc: {  	v11 =	vunpack.i.l.bf16.f32 v19;
	v3 =	vadd.f32 v4, v7;
	v12 =	vunpack.i.l.bf16.f32 v15  }
0xdd: {  	v4 =	vadd.f32 v9, v10;
	v5 =	vadd.f32 v8, v5;
	v13 =	vunpack.i.l.bf16.f32 v0  }
0xde: {  	v7 =	vunpack.i.u.bf16.f32 v19;
	v8 =	vmul.f32 v12, v11;
	v9 =	vunpack.i.l.bf16.f32 v1  }
0xdf: {  	s26 =	sadd.s32 $0x40, s26;
	v10 =	vunpack.i.u.bf16.f32 v15;
	v9 =	vmul.f32 v9, v13;
	v11 =	vunpack.i.l.bf16.f32 v2  }
.LBB2_9:
0xe0: {  	v0 =	vunpack.i.u.bf16.f32 v0  }
0xe1: {  	v1 =	vunpack.i.u.bf16.f32 v1;
	v12 =	vunpack.i.l.bf16.f32 v6;
	v2 =	vunpack.i.u.bf16.f32 v2  }
0xe2: {  	v3 =	vadd.f32 v8, v3;
	v7 =	vmul.f32 v10, v7;
	v11 =	vmul.f32 v12, v11  }
0xe3: {  	v6 =	vunpack.i.u.bf16.f32 v6;
	v5 =	vadd.f32 v9, v5;
	v0 =	vmul.f32 v1, v0  }
0xe4: {  	v2 =	vmul.f32 v6, v2;
	v3 =	vadd.f32 v3, v7;
	v1 =	vadd.f32 v11, v4  }
0xe5: {  	v0 =	vadd.f32 v5, v0  }
0xe6: {  	[tilespmem:s23+$0xFFFFFFE0] =	vst v3;
	v1 =	vadd.f32 v1, v2  }
0xe7: {  	[tilespmem:s23+$0xFFFFFFF0] =	vst v0  }
0xe8: {  	p1 =	sne.s32 s21, $0xF;
	[tilespmem:s23+$0x0] =	vst v1  }
0xe9: {  	s31 =	simm.s32 $0x20;
	s22 =	sshrl.u32 @p1 s22, $0x3;
	_ =	swait.ge [sflag:s18], $0x9E00  }
0xea: {  	s24 =	simm.s32 @p1 $0x2800;
	s22 =	sadd.s32 @p1 s3, s22;
	[sflag:s18] =	ssyncset.done $0x0  }
0xeb: {  	s22 =	sadd.s32 @p1 $0x2780, s22;
	s23 =	simm.s32 @p1 $0x0;
	[sflag:s18] =	ssyncadd.s32 $0xFFFF6200  }
0xec: {  	[tilespmem:s24], [sflag:$0x1] =	stream.linear.gather @p1 [hbm4b:s22+s23], $0x9E00, $0x38;
	[tilespmem:$0x19F80] =	vst v63  }
0xed: {  	s23 =	simm.s32 $0x1420;
	v0 =	vld [tilespmem:s31+$0x10]  }
0xee: {  	v1 =	vld [tilespmem:s23+$0x10]  }
0xef: {  	v3 =	vld [tilespmem:s31+$0xFFFFFFF0]  }
0xf0: {  	v5 =	vld [tilespmem:s31+$0x0]  }
0xf1: {  	v7 =	vld [tilespmem:s23+$0x0]  }
0xf2: {  	v9 =	vld [tilespmem:s31+$0xFFFFFFE0];
	_ =	sdelay $0x1  }
0xf3: {  	v6 =	vshll.u32 v0, $0x2  }
0xf4: {  	v0 =	vand.u32 $0x7F, v0;
	v8 =	vshll.u32 v1, $0x2;
	v1 =	vand.u32 $0x7F, v1  }
0xf5: {  	v2 =	vld [tilespmem:s23+$0xFFFFFFE0];
	v10 =	vshll.u32 v3, $0x2;
	v11 =	vshll.u32 v5, $0x2;
	v44 =	vshll.u32 v7, $0x2  }
0xf6: {  	v14 =	vshll.u32 v9, $0x2;
	v9 =	vand.u32 $0x7F, v9;
	v6 =	vand.u32 $0xFFFFFE00, v6  }
0xf7: {  	v4 =	vld [tilespmem:s23+$0xFFFFFFF0];
	v3 =	vand.u32 $0x7F, v3;
	v14 =	vand.u32 $0xFFFFFE00, v14;
	v0 =	vor.u32 v0, v6  }
0xf8: {  	v5 =	vand.u32 $0x7F, v5;
	v11 =	vand.u32 $0xFFFFFE00, v11;
	v9 =	vor.u32 v9, v14  }
0xf9: {  	v7 =	vand.u32 $0x7F, v7;
	v12 =	vand.u32 $0xFFFFFE00, v44;
	v5 =	vor.u32 v5, v11  }
0xfa: {  	s22 =	simm.s32 $0x16420;
	v6 =	vand.u32 $0xFFFFFE00, v8;
	v8 =	vshll.u32 v2, $0x2;
	v7 =	vor.u32 v7, v12  }
0xfb: {  	v45 =	vld [tilespmem:s22+$0x10];
	v2 =	vand.u32 $0x7F, v2;
	v1 =	vor.u32 v1, v6;
	v6 =	vand.u32 $0xFFFFFE00, v8  }
0xfc: {  	v8 =	vand.u32 $0xFFFFFE00, v10;
	v10 =	vshll.u32 v4, $0x2;
	v13 =	vor.u32 $0x80, v0;
	v16 =	vld.idx.msk [tilespmem:v0+s17+$0x0], $0xffff  }
0xfd: {  	v4 =	vand.u32 $0x7F, v4;
	v46 =	vor.u32 $0x80, v9;
	v23 =	vor.u32 $0x80, v5;
	v50 =	vld.idx.msk [tilespmem:v9+s17+$0x0], $0xffff  }
0xfe: {  	v49 =	vor.u32 $0x80, v7;
	v24 =	vor.u32 $0x100, v9;
	v15 =	vor.u32 $0x80, v1;
	v57 =	vld.idx.msk [tilespmem:v5+s17+$0x0], $0xffff  }
0xff: {  	v54 =	vor.u32 $0x100, v5;
	v10 =	vand.u32 $0xFFFFFE00, v10;
	v2 =	vor.u32 v2, v6;
	v33 =	vld.idx.msk [tilespmem:v7+s17+$0x0], $0xffff  }
0x100: {  	v55 =	vor.u32 $0x100, v7;
	v6 =	vor.u32 $0x100, v0;
	v4 =	vor.u32 v4, v10;
	v17 =	vld.idx.msk [tilespmem:v1+s17+$0x0], $0xffff  }
0x101: {  	v3 =	vor.u32 v3, v8;
	v8 =	vor.u32 $0x100, v1;
	v47 =	vor.u32 $0x80, v2;
	v10 =	vld.idx.msk [tilespmem:v13+s17+$0x0], $0xffff  }
0x102: {  	v48 =	vor.u32 $0x80, v3;
	v51 =	vor.u32 $0x100, v2;
	v28 =	vor.u32 $0x100, v3;
	v13 =	vld.idx.msk [tilespmem:v46+s17+$0x0], $0xffff  }
0x103: {  	v18 =	vor.u32 $0x80, v4;
	v53 =	vor.u32 $0x100, v4;
	v0 =	vor.u32 $0x180, v0;
	v11 =	vld.idx.msk [tilespmem:v15+s17+$0x0], $0xffff  }
0x104: {  	v9 =	vor.u32 $0x180, v9;
	v5 =	vor.u32 $0x180, v5;
	v1 =	vor.u32 $0x180, v1;
	v27 =	vld.idx.msk [tilespmem:v2+s17+$0x0], $0xffff  }
0x105: {  	v2 =	vor.u32 $0x180, v2;
	v31 =	vld.idx.msk [tilespmem:v4+s17+$0x0], $0xffff;
	v4 =	vor.u32 $0x180, v4;
	v20 =	vunpack.i.l.bf16.f32 v16  }
0x106: {  	v6 =	vld.idx.msk [tilespmem:v6+s17+$0x0], $0xffff;
	v16 =	vunpack.i.u.bf16.f32 v16;
	v32 =	vunpack.i.l.bf16.f32 v50;
	v59 =	vunpack.i.u.bf16.f32 v50  }
0x107: {  	v8 =	vld.idx.msk [tilespmem:v8+s17+$0x0], $0xffff;
	v63 =	vunpack.i.l.bf16.f32 v57;
	v35 =	vunpack.i.l.bf16.f32 v33;
	v37 =	vunpack.i.u.bf16.f32 v57  }
0x108: {  	v19 =	vld [tilespmem:s22+$0xFFFFFFE0];
	v38 =	vunpack.i.u.bf16.f32 v33;
	v50 =	vor.u32 $0x180, v7;
	v21 =	vunpack.i.l.bf16.f32 v17  }
0x109: {  	v22 =	vld [tilespmem:s22+$0xFFFFFFF0];
	v17 =	vunpack.i.u.bf16.f32 v17;
	v25 =	vunpack.i.l.bf16.f32 v10;
	v10 =	vunpack.i.u.bf16.f32 v10  }
0x10a: {  	v23 =	vld.idx.msk [tilespmem:v23+s17+$0x0], $0xffff;
	v40 =	vmul.f32 v38, v37;
	v41 =	vunpack.i.l.bf16.f32 v13;
	v13 =	vunpack.i.u.bf16.f32 v13  }
0x10b: {  	v12 =	vld.idx.msk [tilespmem:v47+s17+$0x0], $0xffff;
	v20 =	vmul.f32 v21, v20;
	v16 =	vmul.f32 v17, v16;
	v26 =	vunpack.i.l.bf16.f32 v11  }
0x10c: {  	v15 =	vld.idx.msk [tilespmem:v48+s17+$0x0], $0xffff;
	v11 =	vunpack.i.u.bf16.f32 v11;
	v29 =	vunpack.i.l.bf16.f32 v6;
	v30 =	vunpack.i.l.bf16.f32 v8  }
0x10d: {  	v24 =	vld.idx.msk [tilespmem:v24+s17+$0x0], $0xffff;
	v58 =	vunpack.i.l.bf16.f32 v27;
	v6 =	vunpack.i.u.bf16.f32 v6;
	v14 =	vadd.f32 v20, v45  }
0x10e: {  	v47 =	vld.idx.msk [tilespmem:v28+s17+$0x0], $0xffff;
	v8 =	vunpack.i.u.bf16.f32 v8;
	v52 =	vmul.f32 v26, v25;
	v10 =	vmul.f32 v11, v10  }
0x10f: {  	v0 =	vld.idx.msk [tilespmem:v0+s17+$0x0], $0xffff;
	v56 =	vmul.f32 v30, v29;
	v30 =	vmul.f32 v58, v32;
	v14 =	vadd.f32 v14, v16  }
0x110: {  	v1 =	vld.idx.msk [tilespmem:v1+s17+$0x0], $0xffff;
	v6 =	vmul.f32 v8, v6;
	v62 =	vunpack.i.l.bf16.f32 v31;
	v36 =	vunpack.i.u.bf16.f32 v31  }
0x111: {  	v48 =	vld.idx.msk [tilespmem:v53+s17+$0x0], $0xffff;
	v42 =	vunpack.i.l.bf16.f32 v12;
	v43 =	vunpack.i.l.bf16.f32 v15;
	v14 =	vadd.f32 v52, v14  }
0x112: {  	v11 =	vld.idx.msk [tilespmem:v3+s17+$0x0], $0xffff;
	v12 =	vunpack.i.u.bf16.f32 v12;
	v15 =	vunpack.i.u.bf16.f32 v15;
	v3 =	vor.u32 $0x180, v3  }
0x113: {  	v57 =	vld.idx.msk [tilespmem:v2+s17+$0x0], $0xffff;
	v53 =	vunpack.i.l.bf16.f32 v47;
	v45 =	vunpack.i.l.bf16.f32 v23;
	v10 =	vadd.f32 v14, v10  }
0x114: {  	v8 =	vld [tilespmem:s22+$0x0];
	v23 =	vunpack.i.u.bf16.f32 v23;
	v60 =	vunpack.i.l.bf16.f32 v0;
	v0 =	vunpack.i.u.bf16.f32 v0  }
0x115: {  	v20 =	vld.idx.msk [tilespmem:v51+s17+$0x0], $0xffff;
	v61 =	vunpack.i.l.bf16.f32 v1;
	v1 =	vunpack.i.u.bf16.f32 v1;
	v10 =	vadd.f32 v56, v10  }
0x116: {  	v51 =	vunpack.i.l.bf16.f32 v24;
	v0 =	vmul.f32 v1, v0;
	v1 =	vld.idx.msk [tilespmem:v18+s17+$0x0], $0xffff;
	v18 =	vmul.f32 v35, v63  }
0x117: {  	v34 =	vunpack.i.l.bf16.f32 v11;
	v6 =	vadd.f32 v10, v6;
	v10 =	vmul.f32 v61, v60  }
0x118: {  	v19 =	vadd.f32 v30, v19;
	v16 =	vld.idx.msk [tilespmem:v55+s17+$0x0], $0xffff;
	v11 =	vunpack.i.u.bf16.f32 v11;
	v17 =	vmul.f32 v62, v34  }
0x119: {  	v11 =	vmul.f32 v36, v11;
	v8 =	vadd.f32 v18, v8;
	v6 =	vadd.f32 v10, v6  }
0x11a: {  	v18 =	vmul.f32 v42, v41;
	v52 =	vunpack.i.l.bf16.f32 v20;
	v39 =	vadd.f32 v17, v22  }
0x11b: {  	v62 =	vunpack.i.l.bf16.f32 v57;
	v8 =	vadd.f32 v8, v40;
	v6 =	vadd.f32 v6, v0;
	v0 =	vld.idx.msk [tilespmem:v49+s17+$0x0], $0xffff  }
0x11c: {  	v17 =	vunpack.i.u.bf16.f32 v47;
	v44 =	vunpack.i.l.bf16.f32 v1;
	v10 =	vunpack.i.u.bf16.f32 v27  }
0x11d: {  	v1 =	vunpack.i.u.bf16.f32 v1;
	v56 =	vunpack.i.l.bf16.f32 v16;
	v10 =	vmul.f32 v10, v59;
	v49 =	vld.idx.msk [tilespmem:v54+s17+$0x0], $0xffff  }
0x11e: {  	v16 =	vunpack.i.u.bf16.f32 v16;
	v11 =	vadd.f32 v39, v11;
	v1 =	vmul.f32 v1, v15  }
0x11f: {  	v60 =	vunpack.i.u.bf16.f32 v20;
	v54 =	vunpack.i.l.bf16.f32 v48;
	v10 =	vadd.f32 v19, v10  }
0x120: {  	v19 =	vmul.f32 v44, v43;
	v58 =	vmul.f32 v54, v53;
	v46 =	vunpack.i.l.bf16.f32 v0  }
0x121: {  	v7 =	vadd.f32 v18, v10;
	v10 =	vmul.f32 v12, v13;
	v14 =	vmul.f32 v46, v45  }
0x122: {  	v9 =	vld.idx.msk [tilespmem:v9+s17+$0x0], $0xffff;
	v11 =	vadd.f32 v19, v11;
	v0 =	vunpack.i.u.bf16.f32 v0;
	v55 =	vunpack.i.l.bf16.f32 v49  }
0x123: {  	v2 =	vld.idx.msk [tilespmem:v5+s17+$0x0], $0xffff;
	v7 =	vadd.f32 v7, v10;
	v0 =	vmul.f32 v0, v23;
	v8 =	vadd.f32 v14, v8  }
0x124: {  	v10 =	vmul.f32 v52, v51;
	v11 =	vadd.f32 v11, v1;
	v1 =	vld.idx.msk [tilespmem:v4+s17+$0x0], $0xffff;
	v4 =	vunpack.i.u.bf16.f32 v48  }
0x125: {  	v61 =	vunpack.i.u.bf16.f32 v49;
	v8 =	vadd.f32 v8, v0;
	v0 =	vld.idx.msk [tilespmem:v3+s17+$0x0], $0xffff;
	v3 =	vunpack.i.u.bf16.f32 v24  }
0x126: {  	p1 =	sgt.u32 s5, $0x4;
	[tilespmem:s22+$0x10] =	vst v6;
	v59 =	vmul.f32 v56, v55;
	v5 =	vadd.f32 v10, v7;
	v3 =	vmul.f32 v60, v3  }
.Ltmp5:
0x127: {  	v6 =	vld.idx.msk [tilespmem:v50+s17+$0x0], $0xffff;
	v4 =	vmul.f32 v4, v17;
	v7 =	vadd.f32 v58, v11;
	v10 =	vmul.f32 v16, v61;
	(pc) =	sbr.rel @!p1 .LBB2_11-.Ltmp5, $4  }
0x128: {  	v11 =	vunpack.i.l.bf16.f32 v9;
	v8 =	vadd.f32 v59, v8;
	v3 =	vadd.f32 v5, v3  }
0x129: {  	v5 =	vadd.f32 v7, v4;
	v7 =	vunpack.i.u.bf16.f32 v9;
	v9 =	vunpack.i.l.bf16.f32 v1  }
0x12a: {  	v4 =	vadd.f32 v8, v10;
	v8 =	vmul.f32 v62, v11;
	v63 =	vunpack.i.l.bf16.f32 v0  }
0x12b: {  	s25 =	simm.s32 $0x60;
	s24 =	simm.s32 $0x4;
	v10 =	vunpack.i.u.bf16.f32 v57;
	v11 =	vunpack.i.l.bf16.f32 v2;
	v9 =	vmul.f32 v9, v63  }
.LBB2_10:
0x12c: {  	v12 =	vld [tilespmem:s25+$0x10];
	v0 =	vunpack.i.u.bf16.f32 v0;
	v1 =	vunpack.i.u.bf16.f32 v1;
	v13 =	vunpack.i.l.bf16.f32 v6;
	s23 =	sadd.s32 $0x40, s23  }
0x12d: {  	s24 =	sadd.s32 $0x4, s24;
	v2 =	vunpack.i.u.bf16.f32 v2;
	v6 =	vunpack.i.u.bf16.f32 v6;
	v14 =	vld [tilespmem:s23+$0x10];
	v11 =	vmul.f32 v13, v11  }
0x12e: {  	v3 =	vadd.f32 v8, v3;
	v7 =	vmul.f32 v10, v7;
	p1 =	slt.u32 s24, s5;
	v5 =	vadd.f32 v9, v5;
	v13 =	vld [tilespmem:s23+$0xFFFFFFE0]  }
0x12f: {  	v0 =	vmul.f32 v1, v0;
	v2 =	vmul.f32 v6, v2;
	v8 =	vld [tilespmem:s25+$0xFFFFFFF0];
	v1 =	vadd.f32 v11, v4  }
0x130: {  	v3 =	vadd.f32 v3, v7;
	v4 =	vld [tilespmem:s23+$0xFFFFFFF0]  }
0x131: {  	v0 =	vadd.f32 v5, v0;
	v6 =	vld [tilespmem:s25+$0x0];
	v7 =	vshll.u32 v12, $0x2;
	v1 =	vadd.f32 v1, v2  }
0x132: {  	v5 =	vand.u32 $0x7F, v12;
	v2 =	vld [tilespmem:s23+$0x0];
	v7 =	vand.u32 $0xFFFFFE00, v7;
	v9 =	vshll.u32 v14, $0x2;
	[tilespmem:s22+$0xFFFFFFE0] =	vst v3  }
0x133: {  	v3 =	vld [tilespmem:s25+$0xFFFFFFE0];
	v7 =	vor.u32 v5, v7;
	v5 =	vand.u32 $0x7F, v14;
	v9 =	vand.u32 $0xFFFFFE00, v9;
	[tilespmem:s22+$0xFFFFFFF0] =	vst v0  }
0x134: {  	v0 =	vshll.u32 v13, $0x2;
	v10 =	vshll.u32 v8, $0x2;
	v9 =	vor.u32 v5, v9;
	[tilespmem:s22+$0x0] =	vst v1  }
0x135: {  	v1 =	vand.u32 $0xFFFFFE00, v0;
	v5 =	vand.u32 $0xFFFFFE00, v10;
	v0 =	vshll.u32 v4, $0x2  }
0x136: {  	v10 =	vand.u32 $0x7F, v13;
	v11 =	vand.u32 $0xFFFFFE00, v0;
	v0 =	vshll.u32 v6, $0x2  }
0x137: {  	v13 =	vor.u32 $0x80, v7;
	v12 =	vand.u32 $0xFFFFFE00, v0;
	v0 =	vshll.u32 v2, $0x2  }
0x138: {  	v17 =	vor.u32 $0x80, v9;
	v14 =	vshll.u32 v3, $0x2;
	v15 =	vand.u32 $0xFFFFFE00, v0;
	v16 =	vld.idx.msk [tilespmem:v7+s17+$0x0], $0xffff  }
0x139: {  	v8 =	vand.u32 $0x7F, v8;
	v0 =	vand.u32 $0x7F, v3;
	v3 =	vand.u32 $0xFFFFFE00, v14;
	v14 =	vld.idx.msk [tilespmem:v9+s17+$0x0], $0xffff  }
0x13a: {  	s22 =	sadd.s32 $0x40, s22;
	v4 =	vand.u32 $0x7F, v4;
	v6 =	vand.u32 $0x7F, v6;
	v18 =	vand.u32 $0x7F, v2  }
0x13b: {  	v19 =	vor.u32 $0x100, v7;
	v1 =	vor.u32 v10, v1;
	v0 =	vor.u32 v0, v3;
	v10 =	vld [tilespmem:s22+$0x10]  }
0x13c: {  	v2 =	vor.u32 v4, v11;
	v11 =	vor.u32 $0x100, v9;
	v3 =	vor.u32 v8, v5;
	v8 =	vld.idx.msk [tilespmem:v13+s17+$0x0], $0xffff  }
0x13d: {  	v4 =	vor.u32 v6, v12;
	v5 =	vor.u32 v18, v15;
	v13 =	vor.u32 $0x80, v0;
	v6 =	vld.idx.msk [tilespmem:v17+s17+$0x0], $0xffff  }
0x13e: {  	v15 =	vor.u32 $0x80, v1;
	v18 =	vor.u32 $0x80, v2;
	v17 =	vor.u32 $0x80, v3;
	v12 =	vld [tilespmem:s22+$0xFFFFFFE0]  }
0x13f: {  	v7 =	vor.u32 $0x180, v7;
	v21 =	vunpack.i.l.bf16.f32 v16;
	v22 =	vunpack.i.l.bf16.f32 v14;
	v20 =	vld [tilespmem:s22+$0xFFFFFFF0]  }
0x140: {  	v23 =	vor.u32 $0x80, v4;
	v9 =	vor.u32 $0x180, v9;
	v21 =	vmul.f32 v22, v21;
	v19 =	vld.idx.msk [tilespmem:v19+s17+$0x0], $0xffff  }
0x141: {  	v16 =	vunpack.i.u.bf16.f32 v16;
	v14 =	vunpack.i.u.bf16.f32 v14;
	v22 =	vor.u32 $0x80, v5;
	v11 =	vld.idx.msk [tilespmem:v11+s17+$0x0], $0xffff  }
0x142: {  	v25 =	vor.u32 $0x100, v0;
	v14 =	vmul.f32 v14, v16;
	v10 =	vadd.f32 v21, v10;
	v24 =	vld.idx.msk [tilespmem:v0+s17+$0x0], $0xffff  }
0x143: {  	v21 =	vor.u32 $0x100, v1;
	v26 =	vunpack.i.l.bf16.f32 v8;
	v27 =	vunpack.i.l.bf16.f32 v6;
	v16 =	vld.idx.msk [tilespmem:v1+s17+$0x0], $0xffff  }
0x144: {  	v28 =	vor.u32 $0x100, v3;
	v10 =	vadd.f32 v10, v14;
	v14 =	vmul.f32 v27, v26;
	v7 =	vld.idx.msk [tilespmem:v7+s17+$0x0], $0xffff  }
0x145: {  	v8 =	vunpack.i.u.bf16.f32 v8;
	v6 =	vunpack.i.u.bf16.f32 v6;
	v26 =	vor.u32 $0x100, v2;
	v9 =	vld.idx.msk [tilespmem:v9+s17+$0x0], $0xffff  }
0x146: {  	v29 =	vor.u32 $0x100, v4;
	v6 =	vmul.f32 v6, v8;
	v10 =	vadd.f32 v14, v10;
	v27 =	vld.idx.msk [tilespmem:v3+s17+$0x0], $0xffff  }
0x147: {  	v14 =	vor.u32 $0x100, v5;
	v30 =	vunpack.i.l.bf16.f32 v19;
	v31 =	vunpack.i.l.bf16.f32 v11;
	v8 =	vld.idx.msk [tilespmem:v2+s17+$0x0], $0xffff  }
0x148: {  	v32 =	vunpack.i.l.bf16.f32 v24;
	v6 =	vadd.f32 v10, v6;
	v10 =	vmul.f32 v31, v30;
	v33 =	vld.idx.msk [tilespmem:v4+s17+$0x0], $0xffff  }
0x149: {  	v19 =	vunpack.i.u.bf16.f32 v19;
	v11 =	vunpack.i.u.bf16.f32 v11;
	v30 =	vunpack.i.l.bf16.f32 v16;
	v31 =	vld.idx.msk [tilespmem:v5+s17+$0x0], $0xffff  }
0x14a: {  	v30 =	vmul.f32 v30, v32;
	v6 =	vadd.f32 v10, v6;
	v10 =	vmul.f32 v11, v19;
	v32 =	vld [tilespmem:s22+$0x0]  }
0x14b: {  	v11 =	vunpack.i.u.bf16.f32 v24;
	v19 =	vunpack.i.l.bf16.f32 v7;
	v24 =	vunpack.i.l.bf16.f32 v9;
	v13 =	vld.idx.msk [tilespmem:v13+s17+$0x0], $0xffff  }
0x14c: {  	v34 =	vunpack.i.l.bf16.f32 v27;
	v6 =	vadd.f32 v6, v10;
	v10 =	vmul.f32 v24, v19;
	v15 =	vld.idx.msk [tilespmem:v15+s17+$0x0], $0xffff  }
0x14d: {  	v7 =	vunpack.i.u.bf16.f32 v7;
	v9 =	vunpack.i.u.bf16.f32 v9;
	v19 =	vunpack.i.l.bf16.f32 v8;
	v17 =	vld.idx.msk [tilespmem:v17+s17+$0x0], $0xffff  }
0x14e: {  	v7 =	vmul.f32 v9, v7;
	v24 =	vunpack.i.l.bf16.f32 v33;
	v6 =	vadd.f32 v10, v6;
	v18 =	vld.idx.msk [tilespmem:v18+s17+$0x0], $0xffff  }
0x14f: {  	v9 =	vunpack.i.u.bf16.f32 v16;
	v10 =	vmul.f32 v19, v34;
	v16 =	vunpack.i.l.bf16.f32 v31;
	v19 =	vld.idx.msk [tilespmem:v23+s17+$0x0], $0xffff  }
0x150: {  	v23 =	vunpack.i.u.bf16.f32 v27;
	v16 =	vmul.f32 v16, v24;
	v6 =	vadd.f32 v6, v7;
	v22 =	vld.idx.msk [tilespmem:v22+s17+$0x0], $0xffff  }
0x151: {  	v8 =	vunpack.i.u.bf16.f32 v8;
	v24 =	vunpack.i.u.bf16.f32 v33;
	v7 =	vld.idx.msk [tilespmem:v25+s17+$0x0], $0xffff;
	v25 =	vunpack.i.u.bf16.f32 v31  }
0x152: {  	v12 =	vadd.f32 v30, v12;
	v9 =	vmul.f32 v9, v11;
	v10 =	vadd.f32 v10, v20;
	[tilespmem:s22+$0x10] =	vst v6  }
0x153: {  	v8 =	vmul.f32 v8, v23;
	v11 =	vadd.f32 v16, v32;
	v16 =	vmul.f32 v25, v24;
	v6 =	vld.idx.msk [tilespmem:v21+s17+$0x0], $0xffff  }
0x154: {  	v20 =	vunpack.i.l.bf16.f32 v13;
	v23 =	vunpack.i.l.bf16.f32 v17;
	v21 =	vunpack.i.l.bf16.f32 v15;
	v24 =	vld.idx.msk [tilespmem:v28+s17+$0x0], $0xffff  }
0x155: {  	v9 =	vadd.f32 v12, v9;
	v12 =	vunpack.i.l.bf16.f32 v18;
	v25 =	vld.idx.msk [tilespmem:v26+s17+$0x0], $0xffff;
	v26 =	vunpack.i.l.bf16.f32 v19  }
0x156: {  	v8 =	vadd.f32 v10, v8;
	v10 =	vadd.f32 v11, v16;
	v11 =	vunpack.i.l.bf16.f32 v22;
	v16 =	vld.idx.msk [tilespmem:v29+s17+$0x0], $0xffff  }
0x157: {  	v13 =	vunpack.i.u.bf16.f32 v13;
	v20 =	vmul.f32 v21, v20;
	v12 =	vmul.f32 v12, v23;
	v14 =	vld.idx.msk [tilespmem:v14+s17+$0x0], $0xffff  }
0x158: {  	v17 =	vunpack.i.u.bf16.f32 v17;
	v15 =	vunpack.i.u.bf16.f32 v15;
	v11 =	vmul.f32 v11, v26  }
0x159: {  	v18 =	vunpack.i.u.bf16.f32 v18;
	v19 =	vunpack.i.u.bf16.f32 v19;
	v21 =	vunpack.i.u.bf16.f32 v22  }
0x15a: {  	v0 =	vor.u32 $0x180, v0;
	v1 =	vor.u32 $0x180, v1;
	v3 =	vor.u32 $0x180, v3  }
0x15b: {  	v2 =	vor.u32 $0x180, v2;
	v4 =	vor.u32 $0x180, v4;
	v5 =	vor.u32 $0x180, v5  }
0x15c: {  	v13 =	vmul.f32 v15, v13;
	v9 =	vadd.f32 v20, v9;
	v8 =	vadd.f32 v12, v8  }
0x15d: {  	v12 =	vmul.f32 v18, v17;
	v10 =	vadd.f32 v11, v10;
	v11 =	vmul.f32 v21, v19  }
0x15e: {  	v15 =	vunpack.i.l.bf16.f32 v7;
	v17 =	vunpack.i.l.bf16.f32 v6;
	v18 =	vunpack.i.l.bf16.f32 v24  }
0x15f: {  	v20 =	vunpack.i.l.bf16.f32 v16;
	v21 =	vunpack.i.l.bf16.f32 v14;
	v19 =	vld.idx.msk [tilespmem:v0+s17+$0x0], $0xffff;
	v0 =	vunpack.i.l.bf16.f32 v25  }
0x160: {  	v9 =	vadd.f32 v9, v13;
	v8 =	vadd.f32 v8, v12;
	v13 =	vmul.f32 v17, v15;
	v15 =	vld.idx.msk [tilespmem:v1+s17+$0x0], $0xffff  }
0x161: {  	v12 =	vmul.f32 v0, v18;
	v0 =	vld.idx.msk [tilespmem:v3+s17+$0x0], $0xffff;
	v3 =	vadd.f32 v10, v11;
	v10 =	vmul.f32 v21, v20  }
0x162: {  	v7 =	vunpack.i.u.bf16.f32 v7;
	v6 =	vunpack.i.u.bf16.f32 v6;
	v11 =	vunpack.i.u.bf16.f32 v24;
	v1 =	vld.idx.msk [tilespmem:v2+s17+$0x0], $0xffff  }
0x163: {  	v17 =	vunpack.i.u.bf16.f32 v25;
	v16 =	vunpack.i.u.bf16.f32 v16;
	v14 =	vunpack.i.u.bf16.f32 v14;
	v2 =	vld.idx.msk [tilespmem:v4+s17+$0x0], $0xffff  }
0x164: {  	v7 =	vmul.f32 v6, v7;
	v8 =	vadd.f32 v12, v8;
	v4 =	vadd.f32 v13, v9;
	v6 =	vld.idx.msk [tilespmem:v5+s17+$0x0], $0xffff  }
.Ltmp6:
0x165: {  	v9 =	vadd.f32 v10, v3;
	v10 =	vmul.f32 v14, v16;
	v5 =	vmul.f32 v17, v11;
	(pc) =	sbr.rel @p1 .LBB2_10-.Ltmp6, $4  }
0x166: {  	v11 =	vunpack.i.l.bf16.f32 v19;
	v3 =	vadd.f32 v4, v7;
	v12 =	vunpack.i.l.bf16.f32 v15  }
0x167: {  	v4 =	vadd.f32 v9, v10;
	v5 =	vadd.f32 v8, v5;
	v13 =	vunpack.i.l.bf16.f32 v0  }
0x168: {  	v7 =	vunpack.i.u.bf16.f32 v19;
	v8 =	vmul.f32 v12, v11;
	v9 =	vunpack.i.l.bf16.f32 v1  }
0x169: {  	s25 =	sadd.s32 $0x40, s25;
	v10 =	vunpack.i.u.bf16.f32 v15;
	v9 =	vmul.f32 v9, v13;
	v11 =	vunpack.i.l.bf16.f32 v2  }
.LBB2_11:
0x16a: {  	v0 =	vunpack.i.u.bf16.f32 v0  }
0x16b: {  	v1 =	vunpack.i.u.bf16.f32 v1;
	v12 =	vunpack.i.l.bf16.f32 v6;
	v2 =	vunpack.i.u.bf16.f32 v2  }
0x16c: {  	v3 =	vadd.f32 v8, v3;
	v7 =	vmul.f32 v10, v7;
	s21 =	sadd.s32 $0x1, s21;
	v11 =	vmul.f32 v12, v11  }
0x16d: {  	v62 =	vunpack.i.u.bf16.f32 v6;
	v5 =	vadd.f32 v9, v5;
	v0 =	vmul.f32 v1, v0;
	p1 =	seq.s32 s21, $0x10  }
.Ltmp7:
0x16e: {  	v2 =	vmul.f32 v62, v2;
	v3 =	vadd.f32 v3, v7;
	v63 =	vadd.f32 v11, v4;
	(pc) =	sbr.rel @!p1 .LBB2_7-.Ltmp7, $4  }
0x16f: {  	v0 =	vadd.f32 v5, v0  }
0x170: {  	[tilespmem:s22+$0xFFFFFFE0] =	vst v3;
	v1 =	vadd.f32 v63, v2  }
0x171: {  	[tilespmem:s22+$0xFFFFFFF0] =	vst v0  }
0x172: {  	[tilespmem:s22+$0x0] =	vst v1  }
0x173: {  	s20 =	simm.s32 @p0 $0x0;
	s21 =	simm.s32 @p0 $0x16400  }
0x174: {  	[hbm4b:s8+s20] =	stream.linear.scatter @p0 [tilespmem:s21], [sflag:$0x3], $0x1400, $0x38;
	[tilespmem:$0x19F80] =	vst v63  }
0x175: {  	s20 =	simm.s32 @p0 $0x3  }
0x176: {  	_ =	swait.ge @p0 [sflag:s20], $0x1400  }
0x177: {  	s19 =	sadd.s32 $0x1, s19;
	s21 =	simm.s32 @!p0 $0x16400;
	[sflag:s20] =	ssyncset.done @p0 $0x0  }
0x178: {  	p1 =	sne.s32 s19, s10;
	[sflag:s20] =	ssyncadd.s32 @p0 $0xFFFFEC00;
	s20 =	simm.s32 @!p0 $0x0  }
0x179: {  	[hbm4b:s9+s20] =	stream.linear.scatter @!p0 [tilespmem:s21], [sflag:$0x3], $0x500, $0x38;
	[tilespmem:$0x19F80] =	vst v63  }
.Ltmp8:
0x17a: {  	_ = 	snop;
	(pc) =	sbr.rel @p1 .LBB2_1-.Ltmp8, $4  }
.Ltmp9:
0x17b: {  	s20 =	simm.s32 @!p0 $0x3;
	(pc) =	sbr.rel @!p1 .LBB2_13-.Ltmp9, $4  }
0x17c: {  	_ =	swait.ge @!p0 [sflag:s20], $0x500  }
0x17d: {  	[sflag:s20] =	ssyncset.done @!p0 $0x0  }
0x17e: {  	[sflag:s20] =	ssyncadd.s32 @!p0 $0xFFFFFB00  }
0x17f: {  	_ = 	snop  }
.LBB2_2:
.Ltmp10:
0x180: {  	(pc) =	sbr.rel .LBB2_6-.Ltmp10, $2  }
0x181: {  	_ =	sdelay $0x2  }
0x182: {  	s23 =	simm.s32 $0x16420  }
.LBB2_4:
.Ltmp11:
0x183: {  	(pc) =	sbr.rel .LBB2_6-.Ltmp11, $2  }
0x184: {  	_ =	sdelay $0x2  }
0x185: {  	s23 =	simm.s32 $0x16420  }
.LBB2_13:
0x186: {  	_ =	sfence.sel $0x180000  }
0x187: {  	[bflag:$0x0] =	sbarrier.arrive $0xFFFF  }
0x188: {  	p0 =	sne.s32 s1, $0x0;
	_ =	strace $0x90000047  }
0x189: {  	s0 =	sadd.s32 @!p0 $0x100000, s0;
	[bflag:$0x2] =	sbarrier.arrive $0xFFFF  }
0x18a: {  	[sflag:s0] =	ssyncadd.tile.s32 @!p0 $0x1;
	_ =	shalt  }
.Lfunc_end2:
_tile_overlayer_lowered:
.L_overlay_start_2:
0x18b: {  	(tag) =	ssettag $0x2  }
0x18c: {  	s0 =	rddreg [dreg:$0x0];
	s2 =	stileid.u32  }
0x18d: {  	s1 =	rddreg [dreg:$0x1];
	p0 =	sne.s32 s2, $0x0  }
0x18e: {  	s3 =	rddreg [dreg:$0x2];
	[bflag:$0x3] =	sbarrier.arrive $0xFFFF;
	s2 =	simm.s32 @!p0 $0x1C03  }
0x18f: {  	[timem:s3], [sflag:s2] =	dma.local @!p0 [hbm:s0], s1  }
0x190: {  	s0 =	simm.s32 @!p0 $0x3  }
0x191: {  	_ =	swait.ge @!p0 [sflag:s0], s1  }
0x192: {  	s1 =	ssub.s32 @!p0 $0x0, s1;
	[sflag:s0] =	ssyncset.done @!p0 $0x0  }
0x193: {  	[sflag:s0] =	ssyncadd.s32 @!p0 s1  }
0x194: {  	[bflag:$0x3] =	sbarrier.arrive $0xFFFF  }
0x195: {  	_ =	shalt  }

</sc_bundles>
